<compile_context>
chip_gen: v7x
topology: tpu7x:2x2x1
jax: 0.10.2.dev20260603
libtpu: 0.0.44.dev20260713+nightly
codegen_flags: <defaults>
</compile_context>

<pallas_src>
import functools

import jax
import jax.numpy as jnp
from jax import lax
from jax.experimental import pallas as pl
from jax.experimental.pallas import tpu as pltpu
from jax.experimental.pallas import tpu_sc as plsc

N_BITS = 20
OUT_DIM = 16
BATCH = 16384
NUM_CORES = 2
NUM_SUBCORES = 16
NW = NUM_CORES * NUM_SUBCORES
B_PER_W = BATCH // NW
NBLK = B_PER_W // 128
LANES = 16
HALF = 8 * (2 ** N_BITS)


def _body(img_hbm, enc_hbm, out_hbm, img_v, scale_v, addr_v, gat_v,
          sem2):
    wid = lax.axis_index("s") * NUM_CORES + lax.axis_index("c")
    base_row = wid * B_PER_W

    def img_fire(j, _):
        pltpu.async_copy(
            img_hbm.at[pl.ds(j * BATCH + base_row, B_PER_W)],
            img_v.at[pl.ds(j * B_PER_W, B_PER_W)], sem2)
        return _

    def img_wait(j, _):
        pltpu.make_async_copy(
            img_hbm.at[pl.ds(j * BATCH + base_row, B_PER_W)],
            img_v.at[pl.ds(j * B_PER_W, B_PER_W)], sem2).wait()
        return _

    lax.fori_loop(0, N_BITS, img_fire, 0)
    lax.fori_loop(0, N_BITS, img_wait, 0)
    pl.run_scoped(lambda gsem: _blocks(enc_hbm, out_hbm, scale_v, addr_v,
                                       gat_v, img_v, sem2, gsem, wid),
                  pltpu.SemaphoreType.DMA((NBLK,)))


def _blocks(enc_hbm, out_hbm, scale_v, addr_v, gat_v, img_v, sem2, gsem, wid):

    def block_front(b2, _):
        def index_chunk(c8, _):
            cix = b2 * 8 + c8
            idx = jnp.zeros((LANES,), jnp.int32)
            acc = jnp.zeros((LANES,), jnp.float32)
            for j in range(N_BITS):
                g = img_v[pl.ds(j * B_PER_W + cix * LANES, LANES)]
                bit = jnp.full((LANES,), 1 << j, jnp.int32)
                idx = idx + jnp.where(g > 0, bit,
                                      jnp.zeros((LANES,), jnp.int32))
                acc = acc + jnp.abs(g)
            scale_v[pl.ds(cix * LANES, LANES)] = acc * (1.0 / N_BITS)
            ebase = ((idx >> 7) << 10) + (idx & 127)
            for h in range(2):
                for cc in range(8):
                    a = ebase + (h * HALF + cc * 128)
                    dst = (((h * NBLK + b2) * 8 + cc) * 8 + c8) * LANES
                    addr_v[pl.ds(dst, LANES)] = a
            return _

        def gat_fire(cc, _):
            for h in range(2):
                o = ((h * NBLK + b2) * 8 + cc) * 128
                pltpu.async_copy(enc_hbm.at[addr_v.at[pl.ds(o, 128)]],
                                 gat_v.at[pl.ds(o, 128)], gsem.at[b2])
            return _

        lax.fori_loop(0, 8, index_chunk, 0)
        lax.fori_loop(0, 8, gat_fire, 0)
        return _

    lax.fori_loop(0, NBLK, block_front, 0)

    half_w = NBLK * 8 * 128

    def block_back(b2, _):
        def gat_wait(cc, _):
            for h in range(2):
                o = ((h * NBLK + b2) * 8 + cc) * 128
                pltpu.make_async_copy(enc_hbm.at[addr_v.at[pl.ds(o, 128)]],
                                      gat_v.at[pl.ds(o, 128)],
                                      gsem.at[b2]).wait()
            return _

        def scale_r8(r8, _):
            s = scale_v[pl.ds(b2 * 128 + r8 * LANES, LANES)]
            for h in range(2):
                for cc in range(8):
                    o = ((h * NBLK + b2) * 8 + cc) * 128 + r8 * LANES
                    gat_v[pl.ds(o, LANES)] = gat_v[pl.ds(o, LANES)] * s
            return _

        lax.fori_loop(0, 8, gat_wait, 0)
        lax.fori_loop(0, 8, scale_r8, 0)
        for h in range(2):
            src_o = (h * NBLK + b2) * 1024
            dst_o = h * (BATCH // 128) * 1024 + wid * half_w + b2 * 1024
            pltpu.async_copy(gat_v.at[pl.ds(src_o, 1024)],
                             out_hbm.at[pl.ds(dst_o, 1024)], sem2)
        return _

    lax.fori_loop(0, NBLK, block_back, 0)

    def out_wait(b2, _):
        for h in range(2):
            src_o = (h * NBLK + b2) * 1024
            dst_o = h * (BATCH // 128) * 1024 + wid * half_w + b2 * 1024
            pltpu.make_async_copy(gat_v.at[pl.ds(src_o, 1024)],
                                  out_hbm.at[pl.ds(dst_o, 1024)], sem2).wait()
        return _

    lax.fori_loop(0, NBLK, out_wait, 0)


@jax.jit
def kernel(image, encoding):
    mesh = plsc.VectorSubcoreMesh(
        core_axis_name="c", subcore_axis_name="s",
        num_cores=NUM_CORES, num_subcores=NUM_SUBCORES)
    k = functools.partial(
        pl.kernel,
        out_type=jax.ShapeDtypeStruct((2 * (BATCH // 128) * 1024,), jnp.float32),
        mesh=mesh,
        scratch_types=[
            pltpu.VMEM((B_PER_W * N_BITS,), jnp.float32),
            pltpu.VMEM((B_PER_W,), jnp.float32),
            pltpu.VMEM((B_PER_W * OUT_DIM,), jnp.int32),
            pltpu.VMEM((B_PER_W * OUT_DIM,), jnp.float32),
            pltpu.SemaphoreType.DMA,
        ],
        compiler_params=pltpu.CompilerParams(
            needs_layout_passes=False, use_tc_tiling_on_sc=False),
    )(_body)
    enc_flat = (encoding.reshape(8192, 128, 2, 8)
                .transpose(2, 0, 3, 1).reshape(-1))
    out = k(image.T.reshape(-1), enc_flat)
    return (out.reshape(2, BATCH // 128, 8, 128)
            .transpose(1, 3, 0, 2).reshape(BATCH, OUT_DIM))

# --- scband reference (transcript-rebuilt; emitter-appended) ---
"""Pipeline reference for scband-binary-lookup-25950192403254 (READ-ONLY COPY).

The authoritative reference and input builder live on the scoring server;
editing this copy changes nothing except your own understanding.
"""

import jax, jax.numpy as jnp
import numpy as np

N_BITS = 20
OUT_DIM = 16
BATCH = 16384

def setup_inputs(seed: int = 0) -> dict:
    key = jax.random.key(seed)
    k1, k2 = jax.random.split(key)
    image = jax.random.normal(k1, (BATCH, N_BITS), dtype=jnp.float32)
    encoding = jax.random.normal(k2, (2 ** N_BITS, OUT_DIM), dtype=jnp.float32) * 0.05
    return {"image": image, "encoding": encoding}

def reference(image, encoding):
    N = image.shape[-1]
    e = 2 ** jnp.arange(N, dtype=jnp.int32)
    # broadcast e over leading dims (expand_dims loop in TF == broadcasting here)
    e = e.reshape((1,) * (image.ndim - 1) + (N,))
    idx = jnp.sum(jnp.where(image > 0, e, jnp.int32(0)), axis=-1)
    out = jnp.take(encoding, idx, axis=0)
    out = out * jnp.mean(jnp.abs(image), keepdims=True, axis=-1)
    return out

if __name__ == "__main__":
    import jax
    _d = setup_inputs()
    print(jax.jit(kernel)(*tuple(_d.values())))

</pallas_src>

<mosaic_0001>
#map = affine_map<(d0, d1) -> (0)>
module attributes {stable_mosaic.version = 14 : i64} {
  func.func @_body(%arg0: i32, %arg1: i32, %arg2: memref<327680xf32, #tpu.memory_space<hbm>>, %arg3: memref<16777216xf32, #tpu.memory_space<hbm>>, %arg4: memref<262144xf32, #tpu.memory_space<hbm>>, %arg5: memref<10240xf32, #tpu.memory_space<vmem>>, %arg6: memref<512xf32, #tpu.memory_space<vmem>>, %arg7: memref<8192xi32, #tpu.memory_space<vmem>>, %arg8: memref<8192xf32, #tpu.memory_space<vmem>>, %arg9: memref<!tpu.dma_semaphore, #tpu.memory_space<semaphore_mem>>) attributes {dimension_semantics = [#tpu.dimension_semantics<core_parallel>, #tpu.dimension_semantics<subcore_parallel>], iteration_bounds = array<i64: 2, 16>, scalar_prefetch = 0 : i64, scratch_operands = 5 : i64, tpu.core_type = #tpu.core_type<sc_vector_subcore>, window_params = [{transform_indices = #map}, {transform_indices = #map}, {transform_indices = #map}]} {
    %mul3A = arith.constant 2 : i32
    %mul3A_0 = arith.muli %arg1, %mul3A : i32
    %add3A = arith.addi %mul3A_0, %arg0 : i32
    %mul3A_1 = arith.constant 512 : i32
    %mul3A_2 = arith.muli %add3A, %mul3A_1 : i32
    %scan3A = arith.constant 0 : i32
    %scan3A_3 = arith.constant 0 : i32
    %scan3A_4 = arith.constant 20 : i32
    %scan3A_5 = arith.addi %scan3A_3, %scan3A_4 : i32
    %scan3A_6 = arith.constant 1 : i32
    scf.for %scan3A_14 = %scan3A_3 to %scan3A_5 step %scan3A_6  : i32 {
      %mul3A_15 = arith.constant 16384 : i32
      %mul3A_16 = arith.muli %scan3A_14, %mul3A_15 : i32
      %add3A_17 = arith.addi %mul3A_16, %mul3A_2 : i32
      %mul3A_18 = arith.constant 512 : i32
      %mul3A_19 = arith.muli %scan3A_14, %mul3A_18 : i32
      %dma_start3A = tpu.memref_slice %arg5[%mul3A_19] : memref<10240xf32, #tpu.memory_space<vmem>> -> memref<512xf32, #tpu.memory_space<vmem>>
      %dma_start3A_20 = tpu.memref_slice %arg2[%add3A_17] : memref<327680xf32, #tpu.memory_space<hbm>> -> memref<512xf32, #tpu.memory_space<hbm>>
      %dma_start3A_21 = tpu.memref_slice %arg5[%mul3A_19] : memref<10240xf32, #tpu.memory_space<vmem>> -> memref<512xf32, #tpu.memory_space<vmem>>
      %dma_start3A_22 = tpu.memref_slice %arg2[%add3A_17] : memref<327680xf32, #tpu.memory_space<hbm>> -> memref<512xf32, #tpu.memory_space<hbm>>
      tpu.enqueue_dma source(%dma_start3A_22 : memref<512xf32, #tpu.memory_space<hbm>>) target(%dma_start3A_21 : memref<512xf32, #tpu.memory_space<vmem>>) target_semaphore(%arg9 : memref<!tpu.dma_semaphore, #tpu.memory_space<semaphore_mem>>)
    }
    %scan3A_7 = arith.constant 20 : i32
    %scan3A_8 = arith.constant 0 : i32
    %scan3A_9 = arith.constant 0 : i32
    %scan3A_10 = arith.constant 20 : i32
    %scan3A_11 = arith.addi %scan3A_9, %scan3A_10 : i32
    %scan3A_12 = arith.constant 1 : i32
    scf.for %scan3A_14 = %scan3A_9 to %scan3A_11 step %scan3A_12  : i32 {
      %mul3A_15 = arith.constant 16384 : i32
      %mul3A_16 = arith.muli %scan3A_14, %mul3A_15 : i32
      %add3A_17 = arith.addi %mul3A_16, %mul3A_2 : i32
      %mul3A_18 = arith.constant 512 : i32
      %mul3A_19 = arith.muli %scan3A_14, %mul3A_18 : i32
      %dma_wait3A = tpu.memref_slice %arg5[%mul3A_19] : memref<10240xf32, #tpu.memory_space<vmem>> -> memref<512xf32, #tpu.memory_space<vmem>>
      %dma_wait3A_20 = tpu.memref_slice %arg2[%add3A_17] : memref<327680xf32, #tpu.memory_space<hbm>> -> memref<512xf32, #tpu.memory_space<hbm>>
      %dma_wait3A_21 = tpu.memref_slice %arg5[%mul3A_19] : memref<10240xf32, #tpu.memory_space<vmem>> -> memref<512xf32, #tpu.memory_space<vmem>>
      %dma_wait3A_22 = tpu.memref_slice %arg2[%add3A_17] : memref<327680xf32, #tpu.memory_space<hbm>> -> memref<512xf32, #tpu.memory_space<hbm>>
      tpu.wait_dma2 semaphore(%arg9 : memref<!tpu.dma_semaphore, #tpu.memory_space<semaphore_mem>>) src(%dma_wait3A_22 : memref<512xf32, #tpu.memory_space<hbm>>) dst(%dma_wait3A_21 : memref<512xf32, #tpu.memory_space<vmem>>)
    }
    %scan3A_13 = arith.constant 20 : i32
    "tpu.region"() ({
      %run_scoped3A = tpu.sem_alloc : memref<4x!tpu.dma_semaphore, #tpu.memory_space<semaphore_mem>>
      %scan3A_14 = arith.constant 0 : i32
      %scan3A_15 = arith.constant 0 : i32
      %scan3A_16 = arith.constant 4 : i32
      %scan3A_17 = arith.addi %scan3A_15, %scan3A_16 : i32
      %scan3A_18 = arith.constant 1 : i32
      scf.for %scan3A_32 = %scan3A_15 to %scan3A_17 step %scan3A_18  : i32 {
        %scan3A_33 = arith.constant 0 : i32
        %scan3A_34 = arith.constant 0 : i32
        %scan3A_35 = arith.constant 8 : i32
        %scan3A_36 = arith.addi %scan3A_34, %scan3A_35 : i32
        %scan3A_37 = arith.constant 1 : i32
        scf.for %scan3A_45 = %scan3A_34 to %scan3A_36 step %scan3A_37  : i32 {
          %mul3A_46 = arith.constant 8 : i32
          %mul3A_47 = arith.muli %scan3A_32, %mul3A_46 : i32
          %add3A_48 = arith.addi %mul3A_47, %scan3A_45 : i32
          %broadcast_in_dim3A = arith.constant 0 : i32
          %broadcast_in_dim3A_49 = vector.broadcast %broadcast_in_dim3A : i32 to vector<16xi32>
          %broadcast_in_dim3A_50 = arith.constant 0.000000e+00 : f32
          %broadcast_in_dim3A_51 = vector.broadcast %broadcast_in_dim3A_50 : f32 to vector<16xf32>
          %mul3A_52 = arith.constant 16 : i32
          %mul3A_53 = arith.muli %add3A_48, %mul3A_52 : i32
          %add3A_54 = arith.constant 0 : i32
          %add3A_55 = arith.addi %add3A_54, %mul3A_53 : i32
          %get3A = arith.index_cast %add3A_55 : i32 to index
          %get3A_56 = tpu.vector_load %arg5[%get3A] {strides = array<i32>} : memref<10240xf32, #tpu.memory_space<vmem>>, vector<16xf32>,
          %broadcast_in_dim3A_57 = arith.constant 1 : i32
          %broadcast_in_dim3A_58 = vector.broadcast %broadcast_in_dim3A_57 : i32 to vector<16xi32>
          %gt3A = arith.constant 0.000000e+00 : f32
          %gt3A_59 = vector.broadcast %gt3A : f32 to vector<16xf32>
          %gt3A_60 = arith.cmpf ogt, %get3A_56, %gt3A_59 : vector<16xf32>
          %broadcast_in_dim3A_61 = arith.constant 0 : i32
          %broadcast_in_dim3A_62 = vector.broadcast %broadcast_in_dim3A_61 : i32 to vector<16xi32>
          %select_n3A = arith.select %gt3A_60, %broadcast_in_dim3A_58, %broadcast_in_dim3A_62 : vector<16xi1>, vector<16xi32>
          %add3A_63 = arith.addi %broadcast_in_dim3A_49, %select_n3A : vector<16xi32>
          %abs3A = math.absf %get3A_56 : vector<16xf32>
          %add3A_64 = arith.addf %broadcast_in_dim3A_51, %abs3A : vector<16xf32>
          %mul3A_65 = arith.constant 16 : i32
          %mul3A_66 = arith.muli %add3A_48, %mul3A_65 : i32
          %add3A_67 = arith.constant 512 : i32
          %add3A_68 = arith.addi %add3A_67, %mul3A_66 : i32
          %get3A_69 = arith.index_cast %add3A_68 : i32 to index
          %get3A_70 = tpu.vector_load %arg5[%get3A_69] {strides = array<i32>} : memref<10240xf32, #tpu.memory_space<vmem>>, vector<16xf32>,
          %broadcast_in_dim3A_71 = arith.constant 2 : i32
          %broadcast_in_dim3A_72 = vector.broadcast %broadcast_in_dim3A_71 : i32 to vector<16xi32>
          %gt3A_73 = arith.constant 0.000000e+00 : f32
          %gt3A_74 = vector.broadcast %gt3A_73 : f32 to vector<16xf32>
          %gt3A_75 = arith.cmpf ogt, %get3A_70, %gt3A_74 : vector<16xf32>
          %broadcast_in_dim3A_76 = arith.constant 0 : i32
          %broadcast_in_dim3A_77 = vector.broadcast %broadcast_in_dim3A_76 : i32 to vector<16xi32>
          %select_n3A_78 = arith.select %gt3A_75, %broadcast_in_dim3A_72, %broadcast_in_dim3A_77 : vector<16xi1>, vector<16xi32>
          %add3A_79 = arith.addi %add3A_63, %select_n3A_78 : vector<16xi32>
          %abs3A_80 = math.absf %get3A_70 : vector<16xf32>
          %add3A_81 = arith.addf %add3A_64, %abs3A_80 : vector<16xf32>
          %mul3A_82 = arith.constant 16 : i32
          %mul3A_83 = arith.muli %add3A_48, %mul3A_82 : i32
          %add3A_84 = arith.constant 1024 : i32
          %add3A_85 = arith.addi %add3A_84, %mul3A_83 : i32
          %get3A_86 = arith.index_cast %add3A_85 : i32 to index
          %get3A_87 = tpu.vector_load %arg5[%get3A_86] {strides = array<i32>} : memref<10240xf32, #tpu.memory_space<vmem>>, vector<16xf32>,
          %broadcast_in_dim3A_88 = arith.constant 4 : i32
          %broadcast_in_dim3A_89 = vector.broadcast %broadcast_in_dim3A_88 : i32 to vector<16xi32>
          %gt3A_90 = arith.constant 0.000000e+00 : f32
          %gt3A_91 = vector.broadcast %gt3A_90 : f32 to vector<16xf32>
          %gt3A_92 = arith.cmpf ogt, %get3A_87, %gt3A_91 : vector<16xf32>
          %broadcast_in_dim3A_93 = arith.constant 0 : i32
          %broadcast_in_dim3A_94 = vector.broadcast %broadcast_in_dim3A_93 : i32 to vector<16xi32>
          %select_n3A_95 = arith.select %gt3A_92, %broadcast_in_dim3A_89, %broadcast_in_dim3A_94 : vector<16xi1>, vector<16xi32>
          %add3A_96 = arith.addi %add3A_79, %select_n3A_95 : vector<16xi32>
          %abs3A_97 = math.absf %get3A_87 : vector<16xf32>
          %add3A_98 = arith.addf %add3A_81, %abs3A_97 : vector<16xf32>
          %mul3A_99 = arith.constant 16 : i32
          %mul3A_100 = arith.muli %add3A_48, %mul3A_99 : i32
          %add3A_101 = arith.constant 1536 : i32
          %add3A_102 = arith.addi %add3A_101, %mul3A_100 : i32
          %get3A_103 = arith.index_cast %add3A_102 : i32 to index
          %get3A_104 = tpu.vector_load %arg5[%get3A_103] {strides = array<i32>} : memref<10240xf32, #tpu.memory_space<vmem>>, vector<16xf32>,
          %broadcast_in_dim3A_105 = arith.constant 8 : i32
          %broadcast_in_dim3A_106 = vector.broadcast %broadcast_in_dim3A_105 : i32 to vector<16xi32>
          %gt3A_107 = arith.constant 0.000000e+00 : f32
          %gt3A_108 = vector.broadcast %gt3A_107 : f32 to vector<16xf32>
          %gt3A_109 = arith.cmpf ogt, %get3A_104, %gt3A_108 : vector<16xf32>
          %broadcast_in_dim3A_110 = arith.constant 0 : i32
          %broadcast_in_dim3A_111 = vector.broadcast %broadcast_in_dim3A_110 : i32 to vector<16xi32>
          %select_n3A_112 = arith.select %gt3A_109, %broadcast_in_dim3A_106, %broadcast_in_dim3A_111 : vector<16xi1>, vector<16xi32>
          %add3A_113 = arith.addi %add3A_96, %select_n3A_112 : vector<16xi32>
          %abs3A_114 = math.absf %get3A_104 : vector<16xf32>
          %add3A_115 = arith.addf %add3A_98, %abs3A_114 : vector<16xf32>
          %mul3A_116 = arith.constant 16 : i32
          %mul3A_117 = arith.muli %add3A_48, %mul3A_116 : i32
          %add3A_118 = arith.constant 2048 : i32
          %add3A_119 = arith.addi %add3A_118, %mul3A_117 : i32
          %get3A_120 = arith.index_cast %add3A_119 : i32 to index
          %get3A_121 = tpu.vector_load %arg5[%get3A_120] {strides = array<i32>} : memref<10240xf32, #tpu.memory_space<vmem>>, vector<16xf32>,
          %broadcast_in_dim3A_122 = arith.constant 16 : i32
          %broadcast_in_dim3A_123 = vector.broadcast %broadcast_in_dim3A_122 : i32 to vector<16xi32>
          %gt3A_124 = arith.constant 0.000000e+00 : f32
          %gt3A_125 = vector.broadcast %gt3A_124 : f32 to vector<16xf32>
          %gt3A_126 = arith.cmpf ogt, %get3A_121, %gt3A_125 : vector<16xf32>
          %broadcast_in_dim3A_127 = arith.constant 0 : i32
          %broadcast_in_dim3A_128 = vector.broadcast %broadcast_in_dim3A_127 : i32 to vector<16xi32>
          %select_n3A_129 = arith.select %gt3A_126, %broadcast_in_dim3A_123, %broadcast_in_dim3A_128 : vector<16xi1>, vector<16xi32>
          %add3A_130 = arith.addi %add3A_113, %select_n3A_129 : vector<16xi32>
          %abs3A_131 = math.absf %get3A_121 : vector<16xf32>
          %add3A_132 = arith.addf %add3A_115, %abs3A_131 : vector<16xf32>
          %mul3A_133 = arith.constant 16 : i32
          %mul3A_134 = arith.muli %add3A_48, %mul3A_133 : i32
          %add3A_135 = arith.constant 2560 : i32
          %add3A_136 = arith.addi %add3A_135, %mul3A_134 : i32
          %get3A_137 = arith.index_cast %add3A_136 : i32 to index
          %get3A_138 = tpu.vector_load %arg5[%get3A_137] {strides = array<i32>} : memref<10240xf32, #tpu.memory_space<vmem>>, vector<16xf32>,
          %broadcast_in_dim3A_139 = arith.constant 32 : i32
          %broadcast_in_dim3A_140 = vector.broadcast %broadcast_in_dim3A_139 : i32 to vector<16xi32>
          %gt3A_141 = arith.constant 0.000000e+00 : f32
          %gt3A_142 = vector.broadcast %gt3A_141 : f32 to vector<16xf32>
          %gt3A_143 = arith.cmpf ogt, %get3A_138, %gt3A_142 : vector<16xf32>
          %broadcast_in_dim3A_144 = arith.constant 0 : i32
          %broadcast_in_dim3A_145 = vector.broadcast %broadcast_in_dim3A_144 : i32 to vector<16xi32>
          %select_n3A_146 = arith.select %gt3A_143, %broadcast_in_dim3A_140, %broadcast_in_dim3A_145 : vector<16xi1>, vector<16xi32>
          %add3A_147 = arith.addi %add3A_130, %select_n3A_146 : vector<16xi32>
          %abs3A_148 = math.absf %get3A_138 : vector<16xf32>
          %add3A_149 = arith.addf %add3A_132, %abs3A_148 : vector<16xf32>
          %mul3A_150 = arith.constant 16 : i32
          %mul3A_151 = arith.muli %add3A_48, %mul3A_150 : i32
          %add3A_152 = arith.constant 3072 : i32
          %add3A_153 = arith.addi %add3A_152, %mul3A_151 : i32
          %get3A_154 = arith.index_cast %add3A_153 : i32 to index
          %get3A_155 = tpu.vector_load %arg5[%get3A_154] {strides = array<i32>} : memref<10240xf32, #tpu.memory_space<vmem>>, vector<16xf32>,
          %broadcast_in_dim3A_156 = arith.constant 64 : i32
          %broadcast_in_dim3A_157 = vector.broadcast %broadcast_in_dim3A_156 : i32 to vector<16xi32>
          %gt3A_158 = arith.constant 0.000000e+00 : f32
          %gt3A_159 = vector.broadcast %gt3A_158 : f32 to vector<16xf32>
          %gt3A_160 = arith.cmpf ogt, %get3A_155, %gt3A_159 : vector<16xf32>
          %broadcast_in_dim3A_161 = arith.constant 0 : i32
          %broadcast_in_dim3A_162 = vector.broadcast %broadcast_in_dim3A_161 : i32 to vector<16xi32>
          %select_n3A_163 = arith.select %gt3A_160, %broadcast_in_dim3A_157, %broadcast_in_dim3A_162 : vector<16xi1>, vector<16xi32>
          %add3A_164 = arith.addi %add3A_147, %select_n3A_163 : vector<16xi32>
          %abs3A_165 = math.absf %get3A_155 : vector<16xf32>
          %add3A_166 = arith.addf %add3A_149, %abs3A_165 : vector<16xf32>
          %mul3A_167 = arith.constant 16 : i32
          %mul3A_168 = arith.muli %add3A_48, %mul3A_167 : i32
          %add3A_169 = arith.constant 3584 : i32
          %add3A_170 = arith.addi %add3A_169, %mul3A_168 : i32
          %get3A_171 = arith.index_cast %add3A_170 : i32 to index
          %get3A_172 = tpu.vector_load %arg5[%get3A_171] {strides = array<i32>} : memref<10240xf32, #tpu.memory_space<vmem>>, vector<16xf32>,
          %broadcast_in_dim3A_173 = arith.constant 128 : i32
          %broadcast_in_dim3A_174 = vector.broadcast %broadcast_in_dim3A_173 : i32 to vector<16xi32>
          %gt3A_175 = arith.constant 0.000000e+00 : f32
          %gt3A_176 = vector.broadcast %gt3A_175 : f32 to vector<16xf32>
          %gt3A_177 = arith.cmpf ogt, %get3A_172, %gt3A_176 : vector<16xf32>
          %broadcast_in_dim3A_178 = arith.constant 0 : i32
          %broadcast_in_dim3A_179 = vector.broadcast %broadcast_in_dim3A_178 : i32 to vector<16xi32>
          %select_n3A_180 = arith.select %gt3A_177, %broadcast_in_dim3A_174, %broadcast_in_dim3A_179 : vector<16xi1>, vector<16xi32>
          %add3A_181 = arith.addi %add3A_164, %select_n3A_180 : vector<16xi32>
          %abs3A_182 = math.absf %get3A_172 : vector<16xf32>
          %add3A_183 = arith.addf %add3A_166, %abs3A_182 : vector<16xf32>
          %mul3A_184 = arith.constant 16 : i32
          %mul3A_185 = arith.muli %add3A_48, %mul3A_184 : i32
          %add3A_186 = arith.constant 4096 : i32
          %add3A_187 = arith.addi %add3A_186, %mul3A_185 : i32
          %get3A_188 = arith.index_cast %add3A_187 : i32 to index
          %get3A_189 = tpu.vector_load %arg5[%get3A_188] {strides = array<i32>} : memref<10240xf32, #tpu.memory_space<vmem>>, vector<16xf32>,
          %broadcast_in_dim3A_190 = arith.constant 256 : i32
          %broadcast_in_dim3A_191 = vector.broadcast %broadcast_in_dim3A_190 : i32 to vector<16xi32>
          %gt3A_192 = arith.constant 0.000000e+00 : f32
          %gt3A_193 = vector.broadcast %gt3A_192 : f32 to vector<16xf32>
          %gt3A_194 = arith.cmpf ogt, %get3A_189, %gt3A_193 : vector<16xf32>
          %broadcast_in_dim3A_195 = arith.constant 0 : i32
          %broadcast_in_dim3A_196 = vector.broadcast %broadcast_in_dim3A_195 : i32 to vector<16xi32>
          %select_n3A_197 = arith.select %gt3A_194, %broadcast_in_dim3A_191, %broadcast_in_dim3A_196 : vector<16xi1>, vector<16xi32>
          %add3A_198 = arith.addi %add3A_181, %select_n3A_197 : vector<16xi32>
          %abs3A_199 = math.absf %get3A_189 : vector<16xf32>
          %add3A_200 = arith.addf %add3A_183, %abs3A_199 : vector<16xf32>
          %mul3A_201 = arith.constant 16 : i32
          %mul3A_202 = arith.muli %add3A_48, %mul3A_201 : i32
          %add3A_203 = arith.constant 4608 : i32
          %add3A_204 = arith.addi %add3A_203, %mul3A_202 : i32
          %get3A_205 = arith.index_cast %add3A_204 : i32 to index
          %get3A_206 = tpu.vector_load %arg5[%get3A_205] {strides = array<i32>} : memref<10240xf32, #tpu.memory_space<vmem>>, vector<16xf32>,
          %broadcast_in_dim3A_207 = arith.constant 512 : i32
          %broadcast_in_dim3A_208 = vector.broadcast %broadcast_in_dim3A_207 : i32 to vector<16xi32>
          %gt3A_209 = arith.constant 0.000000e+00 : f32
          %gt3A_210 = vector.broadcast %gt3A_209 : f32 to vector<16xf32>
          %gt3A_211 = arith.cmpf ogt, %get3A_206, %gt3A_210 : vector<16xf32>
          %broadcast_in_dim3A_212 = arith.constant 0 : i32
          %broadcast_in_dim3A_213 = vector.broadcast %broadcast_in_dim3A_212 : i32 to vector<16xi32>
          %select_n3A_214 = arith.select %gt3A_211, %broadcast_in_dim3A_208, %broadcast_in_dim3A_213 : vector<16xi1>, vector<16xi32>
          %add3A_215 = arith.addi %add3A_198, %select_n3A_214 : vector<16xi32>
          %abs3A_216 = math.absf %get3A_206 : vector<16xf32>
          %add3A_217 = arith.addf %add3A_200, %abs3A_216 : vector<16xf32>
          %mul3A_218 = arith.constant 16 : i32
          %mul3A_219 = arith.muli %add3A_48, %mul3A_218 : i32
          %add3A_220 = arith.constant 5120 : i32
          %add3A_221 = arith.addi %add3A_220, %mul3A_219 : i32
          %get3A_222 = arith.index_cast %add3A_221 : i32 to index
          %get3A_223 = tpu.vector_load %arg5[%get3A_222] {strides = array<i32>} : memref<10240xf32, #tpu.memory_space<vmem>>, vector<16xf32>,
          %broadcast_in_dim3A_224 = arith.constant 1024 : i32
          %broadcast_in_dim3A_225 = vector.broadcast %broadcast_in_dim3A_224 : i32 to vector<16xi32>
          %gt3A_226 = arith.constant 0.000000e+00 : f32
          %gt3A_227 = vector.broadcast %gt3A_226 : f32 to vector<16xf32>
          %gt3A_228 = arith.cmpf ogt, %get3A_223, %gt3A_227 : vector<16xf32>
          %broadcast_in_dim3A_229 = arith.constant 0 : i32
          %broadcast_in_dim3A_230 = vector.broadcast %broadcast_in_dim3A_229 : i32 to vector<16xi32>
          %select_n3A_231 = arith.select %gt3A_228, %broadcast_in_dim3A_225, %broadcast_in_dim3A_230 : vector<16xi1>, vector<16xi32>
          %add3A_232 = arith.addi %add3A_215, %select_n3A_231 : vector<16xi32>
          %abs3A_233 = math.absf %get3A_223 : vector<16xf32>
          %add3A_234 = arith.addf %add3A_217, %abs3A_233 : vector<16xf32>
          %mul3A_235 = arith.constant 16 : i32
          %mul3A_236 = arith.muli %add3A_48, %mul3A_235 : i32
          %add3A_237 = arith.constant 5632 : i32
          %add3A_238 = arith.addi %add3A_237, %mul3A_236 : i32
          %get3A_239 = arith.index_cast %add3A_238 : i32 to index
          %get3A_240 = tpu.vector_load %arg5[%get3A_239] {strides = array<i32>} : memref<10240xf32, #tpu.memory_space<vmem>>, vector<16xf32>,
          %broadcast_in_dim3A_241 = arith.constant 2048 : i32
          %broadcast_in_dim3A_242 = vector.broadcast %broadcast_in_dim3A_241 : i32 to vector<16xi32>
          %gt3A_243 = arith.constant 0.000000e+00 : f32
          %gt3A_244 = vector.broadcast %gt3A_243 : f32 to vector<16xf32>
          %gt3A_245 = arith.cmpf ogt, %get3A_240, %gt3A_244 : vector<16xf32>
          %broadcast_in_dim3A_246 = arith.constant 0 : i32
          %broadcast_in_dim3A_247 = vector.broadcast %broadcast_in_dim3A_246 : i32 to vector<16xi32>
          %select_n3A_248 = arith.select %gt3A_245, %broadcast_in_dim3A_242, %broadcast_in_dim3A_247 : vector<16xi1>, vector<16xi32>
          %add3A_249 = arith.addi %add3A_232, %select_n3A_248 : vector<16xi32>
          %abs3A_250 = math.absf %get3A_240 : vector<16xf32>
          %add3A_251 = arith.addf %add3A_234, %abs3A_250 : vector<16xf32>
          %mul3A_252 = arith.constant 16 : i32
          %mul3A_253 = arith.muli %add3A_48, %mul3A_252 : i32
          %add3A_254 = arith.constant 6144 : i32
          %add3A_255 = arith.addi %add3A_254, %mul3A_253 : i32
          %get3A_256 = arith.index_cast %add3A_255 : i32 to index
          %get3A_257 = tpu.vector_load %arg5[%get3A_256] {strides = array<i32>} : memref<10240xf32, #tpu.memory_space<vmem>>, vector<16xf32>,
          %broadcast_in_dim3A_258 = arith.constant 4096 : i32
          %broadcast_in_dim3A_259 = vector.broadcast %broadcast_in_dim3A_258 : i32 to vector<16xi32>
          %gt3A_260 = arith.constant 0.000000e+00 : f32
          %gt3A_261 = vector.broadcast %gt3A_260 : f32 to vector<16xf32>
          %gt3A_262 = arith.cmpf ogt, %get3A_257, %gt3A_261 : vector<16xf32>
          %broadcast_in_dim3A_263 = arith.constant 0 : i32
          %broadcast_in_dim3A_264 = vector.broadcast %broadcast_in_dim3A_263 : i32 to vector<16xi32>
          %select_n3A_265 = arith.select %gt3A_262, %broadcast_in_dim3A_259, %broadcast_in_dim3A_264 : vector<16xi1>, vector<16xi32>
          %add3A_266 = arith.addi %add3A_249, %select_n3A_265 : vector<16xi32>
          %abs3A_267 = math.absf %get3A_257 : vector<16xf32>
          %add3A_268 = arith.addf %add3A_251, %abs3A_267 : vector<16xf32>
          %mul3A_269 = arith.constant 16 : i32
          %mul3A_270 = arith.muli %add3A_48, %mul3A_269 : i32
          %add3A_271 = arith.constant 6656 : i32
          %add3A_272 = arith.addi %add3A_271, %mul3A_270 : i32
          %get3A_273 = arith.index_cast %add3A_272 : i32 to index
          %get3A_274 = tpu.vector_load %arg5[%get3A_273] {strides = array<i32>} : memref<10240xf32, #tpu.memory_space<vmem>>, vector<16xf32>,
          %broadcast_in_dim3A_275 = arith.constant 8192 : i32
          %broadcast_in_dim3A_276 = vector.broadcast %broadcast_in_dim3A_275 : i32 to vector<16xi32>
          %gt3A_277 = arith.constant 0.000000e+00 : f32
          %gt3A_278 = vector.broadcast %gt3A_277 : f32 to vector<16xf32>
          %gt3A_279 = arith.cmpf ogt, %get3A_274, %gt3A_278 : vector<16xf32>
          %broadcast_in_dim3A_280 = arith.constant 0 : i32
          %broadcast_in_dim3A_281 = vector.broadcast %broadcast_in_dim3A_280 : i32 to vector<16xi32>
          %select_n3A_282 = arith.select %gt3A_279, %broadcast_in_dim3A_276, %broadcast_in_dim3A_281 : vector<16xi1>, vector<16xi32>
          %add3A_283 = arith.addi %add3A_266, %select_n3A_282 : vector<16xi32>
          %abs3A_284 = math.absf %get3A_274 : vector<16xf32>
          %add3A_285 = arith.addf %add3A_268, %abs3A_284 : vector<16xf32>
          %mul3A_286 = arith.constant 16 : i32
          %mul3A_287 = arith.muli %add3A_48, %mul3A_286 : i32
          %add3A_288 = arith.constant 7168 : i32
          %add3A_289 = arith.addi %add3A_288, %mul3A_287 : i32
          %get3A_290 = arith.index_cast %add3A_289 : i32 to index
          %get3A_291 = tpu.vector_load %arg5[%get3A_290] {strides = array<i32>} : memref<10240xf32, #tpu.memory_space<vmem>>, vector<16xf32>,
          %broadcast_in_dim3A_292 = arith.constant 16384 : i32
          %broadcast_in_dim3A_293 = vector.broadcast %broadcast_in_dim3A_292 : i32 to vector<16xi32>
          %gt3A_294 = arith.constant 0.000000e+00 : f32
          %gt3A_295 = vector.broadcast %gt3A_294 : f32 to vector<16xf32>
          %gt3A_296 = arith.cmpf ogt, %get3A_291, %gt3A_295 : vector<16xf32>
          %broadcast_in_dim3A_297 = arith.constant 0 : i32
          %broadcast_in_dim3A_298 = vector.broadcast %broadcast_in_dim3A_297 : i32 to vector<16xi32>
          %select_n3A_299 = arith.select %gt3A_296, %broadcast_in_dim3A_293, %broadcast_in_dim3A_298 : vector<16xi1>, vector<16xi32>
          %add3A_300 = arith.addi %add3A_283, %select_n3A_299 : vector<16xi32>
          %abs3A_301 = math.absf %get3A_291 : vector<16xf32>
          %add3A_302 = arith.addf %add3A_285, %abs3A_301 : vector<16xf32>
          %mul3A_303 = arith.constant 16 : i32
          %mul3A_304 = arith.muli %add3A_48, %mul3A_303 : i32
          %add3A_305 = arith.constant 7680 : i32
          %add3A_306 = arith.addi %add3A_305, %mul3A_304 : i32
          %get3A_307 = arith.index_cast %add3A_306 : i32 to index
          %get3A_308 = tpu.vector_load %arg5[%get3A_307] {strides = array<i32>} : memref<10240xf32, #tpu.memory_space<vmem>>, vector<16xf32>,
          %broadcast_in_dim3A_309 = arith.constant 32768 : i32
          %broadcast_in_dim3A_310 = vector.broadcast %broadcast_in_dim3A_309 : i32 to vector<16xi32>
          %gt3A_311 = arith.constant 0.000000e+00 : f32
          %gt3A_312 = vector.broadcast %gt3A_311 : f32 to vector<16xf32>
          %gt3A_313 = arith.cmpf ogt, %get3A_308, %gt3A_312 : vector<16xf32>
          %broadcast_in_dim3A_314 = arith.constant 0 : i32
          %broadcast_in_dim3A_315 = vector.broadcast %broadcast_in_dim3A_314 : i32 to vector<16xi32>
          %select_n3A_316 = arith.select %gt3A_313, %broadcast_in_dim3A_310, %broadcast_in_dim3A_315 : vector<16xi1>, vector<16xi32>
          %add3A_317 = arith.addi %add3A_300, %select_n3A_316 : vector<16xi32>
          %abs3A_318 = math.absf %get3A_308 : vector<16xf32>
          %add3A_319 = arith.addf %add3A_302, %abs3A_318 : vector<16xf32>
          %mul3A_320 = arith.constant 16 : i32
          %mul3A_321 = arith.muli %add3A_48, %mul3A_320 : i32
          %add3A_322 = arith.constant 8192 : i32
          %add3A_323 = arith.addi %add3A_322, %mul3A_321 : i32
          %get3A_324 = arith.index_cast %add3A_323 : i32 to index
          %get3A_325 = tpu.vector_load %arg5[%get3A_324] {strides = array<i32>} : memref<10240xf32, #tpu.memory_space<vmem>>, vector<16xf32>,
          %broadcast_in_dim3A_326 = arith.constant 65536 : i32
          %broadcast_in_dim3A_327 = vector.broadcast %broadcast_in_dim3A_326 : i32 to vector<16xi32>
          %gt3A_328 = arith.constant 0.000000e+00 : f32
          %gt3A_329 = vector.broadcast %gt3A_328 : f32 to vector<16xf32>
          %gt3A_330 = arith.cmpf ogt, %get3A_325, %gt3A_329 : vector<16xf32>
          %broadcast_in_dim3A_331 = arith.constant 0 : i32
          %broadcast_in_dim3A_332 = vector.broadcast %broadcast_in_dim3A_331 : i32 to vector<16xi32>
          %select_n3A_333 = arith.select %gt3A_330, %broadcast_in_dim3A_327, %broadcast_in_dim3A_332 : vector<16xi1>, vector<16xi32>
          %add3A_334 = arith.addi %add3A_317, %select_n3A_333 : vector<16xi32>
          %abs3A_335 = math.absf %get3A_325 : vector<16xf32>
          %add3A_336 = arith.addf %add3A_319, %abs3A_335 : vector<16xf32>
          %mul3A_337 = arith.constant 16 : i32
          %mul3A_338 = arith.muli %add3A_48, %mul3A_337 : i32
          %add3A_339 = arith.constant 8704 : i32
          %add3A_340 = arith.addi %add3A_339, %mul3A_338 : i32
          %get3A_341 = arith.index_cast %add3A_340 : i32 to index
          %get3A_342 = tpu.vector_load %arg5[%get3A_341] {strides = array<i32>} : memref<10240xf32, #tpu.memory_space<vmem>>, vector<16xf32>,
          %broadcast_in_dim3A_343 = arith.constant 131072 : i32
          %broadcast_in_dim3A_344 = vector.broadcast %broadcast_in_dim3A_343 : i32 to vector<16xi32>
          %gt3A_345 = arith.constant 0.000000e+00 : f32
          %gt3A_346 = vector.broadcast %gt3A_345 : f32 to vector<16xf32>
          %gt3A_347 = arith.cmpf ogt, %get3A_342, %gt3A_346 : vector<16xf32>
          %broadcast_in_dim3A_348 = arith.constant 0 : i32
          %broadcast_in_dim3A_349 = vector.broadcast %broadcast_in_dim3A_348 : i32 to vector<16xi32>
          %select_n3A_350 = arith.select %gt3A_347, %broadcast_in_dim3A_344, %broadcast_in_dim3A_349 : vector<16xi1>, vector<16xi32>
          %add3A_351 = arith.addi %add3A_334, %select_n3A_350 : vector<16xi32>
          %abs3A_352 = math.absf %get3A_342 : vector<16xf32>
          %add3A_353 = arith.addf %add3A_336, %abs3A_352 : vector<16xf32>
          %mul3A_354 = arith.constant 16 : i32
          %mul3A_355 = arith.muli %add3A_48, %mul3A_354 : i32
          %add3A_356 = arith.constant 9216 : i32
          %add3A_357 = arith.addi %add3A_356, %mul3A_355 : i32
          %get3A_358 = arith.index_cast %add3A_357 : i32 to index
          %get3A_359 = tpu.vector_load %arg5[%get3A_358] {strides = array<i32>} : memref<10240xf32, #tpu.memory_space<vmem>>, vector<16xf32>,
          %broadcast_in_dim3A_360 = arith.constant 262144 : i32
          %broadcast_in_dim3A_361 = vector.broadcast %broadcast_in_dim3A_360 : i32 to vector<16xi32>
          %gt3A_362 = arith.constant 0.000000e+00 : f32
          %gt3A_363 = vector.broadcast %gt3A_362 : f32 to vector<16xf32>
          %gt3A_364 = arith.cmpf ogt, %get3A_359, %gt3A_363 : vector<16xf32>
          %broadcast_in_dim3A_365 = arith.constant 0 : i32
          %broadcast_in_dim3A_366 = vector.broadcast %broadcast_in_dim3A_365 : i32 to vector<16xi32>
          %select_n3A_367 = arith.select %gt3A_364, %broadcast_in_dim3A_361, %broadcast_in_dim3A_366 : vector<16xi1>, vector<16xi32>
          %add3A_368 = arith.addi %add3A_351, %select_n3A_367 : vector<16xi32>
          %abs3A_369 = math.absf %get3A_359 : vector<16xf32>
          %add3A_370 = arith.addf %add3A_353, %abs3A_369 : vector<16xf32>
          %mul3A_371 = arith.constant 16 : i32
          %mul3A_372 = arith.muli %add3A_48, %mul3A_371 : i32
          %add3A_373 = arith.constant 9728 : i32
          %add3A_374 = arith.addi %add3A_373, %mul3A_372 : i32
          %get3A_375 = arith.index_cast %add3A_374 : i32 to index
          %get3A_376 = tpu.vector_load %arg5[%get3A_375] {strides = array<i32>} : memref<10240xf32, #tpu.memory_space<vmem>>, vector<16xf32>,
          %broadcast_in_dim3A_377 = arith.constant 524288 : i32
          %broadcast_in_dim3A_378 = vector.broadcast %broadcast_in_dim3A_377 : i32 to vector<16xi32>
          %gt3A_379 = arith.constant 0.000000e+00 : f32
          %gt3A_380 = vector.broadcast %gt3A_379 : f32 to vector<16xf32>
          %gt3A_381 = arith.cmpf ogt, %get3A_376, %gt3A_380 : vector<16xf32>
          %broadcast_in_dim3A_382 = arith.constant 0 : i32
          %broadcast_in_dim3A_383 = vector.broadcast %broadcast_in_dim3A_382 : i32 to vector<16xi32>
          %select_n3A_384 = arith.select %gt3A_381, %broadcast_in_dim3A_378, %broadcast_in_dim3A_383 : vector<16xi1>, vector<16xi32>
          %add3A_385 = arith.addi %add3A_368, %select_n3A_384 : vector<16xi32>
          %abs3A_386 = math.absf %get3A_376 : vector<16xf32>
          %add3A_387 = arith.addf %add3A_370, %abs3A_386 : vector<16xf32>
          %mul3A_388 = arith.constant 5.000000e-02 : f32
          %mul3A_389 = vector.broadcast %mul3A_388 : f32 to vector<16xf32>
          %mul3A_390 = arith.mulf %add3A_387, %mul3A_389 : vector<16xf32>
          %mul3A_391 = arith.constant 16 : i32
          %mul3A_392 = arith.muli %add3A_48, %mul3A_391 : i32
          %swap3A = arith.index_cast %mul3A_392 : i32 to index
          %swap3A_393 = tpu.vector_load %arg6[%swap3A] {strides = array<i32>} : memref<512xf32, #tpu.memory_space<vmem>>, vector<16xf32>,
          tpu.vector_store %arg6[%swap3A], %mul3A_390 {strides = array<i32>} : memref<512xf32, #tpu.memory_space<vmem>>, vector<16xf32>,
          %shift_right_arithmetic3A = arith.constant 7 : i32
          %shift_right_arithmetic3A_394 = vector.broadcast %shift_right_arithmetic3A : i32 to vector<16xi32>
          %shift_right_arithmetic3A_395 = arith.shrsi %add3A_385, %shift_right_arithmetic3A_394 : vector<16xi32>
          %shift_left3A = arith.constant 10 : i32
          %shift_left3A_396 = vector.broadcast %shift_left3A : i32 to vector<16xi32>
          %shift_left3A_397 = arith.shli %shift_right_arithmetic3A_395, %shift_left3A_396 : vector<16xi32>
          %and3A = arith.constant 127 : i32
          %and3A_398 = vector.broadcast %and3A : i32 to vector<16xi32>
          %and3A_399 = arith.andi %add3A_385, %and3A_398 : vector<16xi32>
          %add3A_400 = arith.addi %shift_left3A_397, %and3A_399 : vector<16xi32>
          %add3A_401 = arith.constant 0 : i32
          %add3A_402 = vector.broadcast %add3A_401 : i32 to vector<16xi32>
          %add3A_403 = arith.addi %add3A_400, %add3A_402 : vector<16xi32>
          %add3A_404 = arith.constant 0 : i32
          %add3A_405 = arith.addi %add3A_404, %scan3A_32 : i32
          %mul3A_406 = arith.constant 8 : i32
          %mul3A_407 = arith.muli %add3A_405, %mul3A_406 : i32
          %add3A_408 = arith.constant 0 : i32
          %add3A_409 = arith.addi %mul3A_407, %add3A_408 : i32
          %mul3A_410 = arith.constant 8 : i32
          %mul3A_411 = arith.muli %add3A_409, %mul3A_410 : i32
          %add3A_412 = arith.addi %mul3A_411, %scan3A_45 : i32
          %mul3A_413 = arith.constant 16 : i32
          %mul3A_414 = arith.muli %add3A_412, %mul3A_413 : i32
          %swap3A_415 = arith.index_cast %mul3A_414 : i32 to index
          %swap3A_416 = tpu.vector_load %arg7[%swap3A_415] {strides = array<i32>} : memref<8192xi32, #tpu.memory_space<vmem>>, vector<16xi32>,
          tpu.vector_store %arg7[%swap3A_415], %add3A_403 {strides = array<i32>} : memref<8192xi32, #tpu.memory_space<vmem>>, vector<16xi32>,
          %add3A_417 = arith.constant 128 : i32
          %add3A_418 = vector.broadcast %add3A_417 : i32 to vector<16xi32>
          %add3A_419 = arith.addi %add3A_400, %add3A_418 : vector<16xi32>
          %add3A_420 = arith.constant 0 : i32
          %add3A_421 = arith.addi %add3A_420, %scan3A_32 : i32
          %mul3A_422 = arith.constant 8 : i32
          %mul3A_423 = arith.muli %add3A_421, %mul3A_422 : i32
          %add3A_424 = arith.constant 1 : i32
          %add3A_425 = arith.addi %mul3A_423, %add3A_424 : i32
          %mul3A_426 = arith.constant 8 : i32
          %mul3A_427 = arith.muli %add3A_425, %mul3A_426 : i32
          %add3A_428 = arith.addi %mul3A_427, %scan3A_45 : i32
          %mul3A_429 = arith.constant 16 : i32
          %mul3A_430 = arith.muli %add3A_428, %mul3A_429 : i32
          %swap3A_431 = arith.index_cast %mul3A_430 : i32 to index
          %swap3A_432 = tpu.vector_load %arg7[%swap3A_431] {strides = array<i32>} : memref<8192xi32, #tpu.memory_space<vmem>>, vector<16xi32>,
          tpu.vector_store %arg7[%swap3A_431], %add3A_419 {strides = array<i32>} : memref<8192xi32, #tpu.memory_space<vmem>>, vector<16xi32>,
          %add3A_433 = arith.constant 256 : i32
          %add3A_434 = vector.broadcast %add3A_433 : i32 to vector<16xi32>
          %add3A_435 = arith.addi %add3A_400, %add3A_434 : vector<16xi32>
          %add3A_436 = arith.constant 0 : i32
          %add3A_437 = arith.addi %add3A_436, %scan3A_32 : i32
          %mul3A_438 = arith.constant 8 : i32
          %mul3A_439 = arith.muli %add3A_437, %mul3A_438 : i32
          %add3A_440 = arith.constant 2 : i32
          %add3A_441 = arith.addi %mul3A_439, %add3A_440 : i32
          %mul3A_442 = arith.constant 8 : i32
          %mul3A_443 = arith.muli %add3A_441, %mul3A_442 : i32
          %add3A_444 = arith.addi %mul3A_443, %scan3A_45 : i32
          %mul3A_445 = arith.constant 16 : i32
          %mul3A_446 = arith.muli %add3A_444, %mul3A_445 : i32
          %swap3A_447 = arith.index_cast %mul3A_446 : i32 to index
          %swap3A_448 = tpu.vector_load %arg7[%swap3A_447] {strides = array<i32>} : memref<8192xi32, #tpu.memory_space<vmem>>, vector<16xi32>,
          tpu.vector_store %arg7[%swap3A_447], %add3A_435 {strides = array<i32>} : memref<8192xi32, #tpu.memory_space<vmem>>, vector<16xi32>,
          %add3A_449 = arith.constant 384 : i32
          %add3A_450 = vector.broadcast %add3A_449 : i32 to vector<16xi32>
          %add3A_451 = arith.addi %add3A_400, %add3A_450 : vector<16xi32>
          %add3A_452 = arith.constant 0 : i32
          %add3A_453 = arith.addi %add3A_452, %scan3A_32 : i32
          %mul3A_454 = arith.constant 8 : i32
          %mul3A_455 = arith.muli %add3A_453, %mul3A_454 : i32
          %add3A_456 = arith.constant 3 : i32
          %add3A_457 = arith.addi %mul3A_455, %add3A_456 : i32
          %mul3A_458 = arith.constant 8 : i32
          %mul3A_459 = arith.muli %add3A_457, %mul3A_458 : i32
          %add3A_460 = arith.addi %mul3A_459, %scan3A_45 : i32
          %mul3A_461 = arith.constant 16 : i32
          %mul3A_462 = arith.muli %add3A_460, %mul3A_461 : i32
          %swap3A_463 = arith.index_cast %mul3A_462 : i32 to index
          %swap3A_464 = tpu.vector_load %arg7[%swap3A_463] {strides = array<i32>} : memref<8192xi32, #tpu.memory_space<vmem>>, vector<16xi32>,
          tpu.vector_store %arg7[%swap3A_463], %add3A_451 {strides = array<i32>} : memref<8192xi32, #tpu.memory_space<vmem>>, vector<16xi32>,
          %add3A_465 = arith.constant 512 : i32
          %add3A_466 = vector.broadcast %add3A_465 : i32 to vector<16xi32>
          %add3A_467 = arith.addi %add3A_400, %add3A_466 : vector<16xi32>
          %add3A_468 = arith.constant 0 : i32
          %add3A_469 = arith.addi %add3A_468, %scan3A_32 : i32
          %mul3A_470 = arith.constant 8 : i32
          %mul3A_471 = arith.muli %add3A_469, %mul3A_470 : i32
          %add3A_472 = arith.constant 4 : i32
          %add3A_473 = arith.addi %mul3A_471, %add3A_472 : i32
          %mul3A_474 = arith.constant 8 : i32
          %mul3A_475 = arith.muli %add3A_473, %mul3A_474 : i32
          %add3A_476 = arith.addi %mul3A_475, %scan3A_45 : i32
          %mul3A_477 = arith.constant 16 : i32
          %mul3A_478 = arith.muli %add3A_476, %mul3A_477 : i32
          %swap3A_479 = arith.index_cast %mul3A_478 : i32 to index
          %swap3A_480 = tpu.vector_load %arg7[%swap3A_479] {strides = array<i32>} : memref<8192xi32, #tpu.memory_space<vmem>>, vector<16xi32>,
          tpu.vector_store %arg7[%swap3A_479], %add3A_467 {strides = array<i32>} : memref<8192xi32, #tpu.memory_space<vmem>>, vector<16xi32>,
          %add3A_481 = arith.constant 640 : i32
          %add3A_482 = vector.broadcast %add3A_481 : i32 to vector<16xi32>
          %add3A_483 = arith.addi %add3A_400, %add3A_482 : vector<16xi32>
          %add3A_484 = arith.constant 0 : i32
          %add3A_485 = arith.addi %add3A_484, %scan3A_32 : i32
          %mul3A_486 = arith.constant 8 : i32
          %mul3A_487 = arith.muli %add3A_485, %mul3A_486 : i32
          %add3A_488 = arith.constant 5 : i32
          %add3A_489 = arith.addi %mul3A_487, %add3A_488 : i32
          %mul3A_490 = arith.constant 8 : i32
          %mul3A_491 = arith.muli %add3A_489, %mul3A_490 : i32
          %add3A_492 = arith.addi %mul3A_491, %scan3A_45 : i32
          %mul3A_493 = arith.constant 16 : i32
          %mul3A_494 = arith.muli %add3A_492, %mul3A_493 : i32
          %swap3A_495 = arith.index_cast %mul3A_494 : i32 to index
          %swap3A_496 = tpu.vector_load %arg7[%swap3A_495] {strides = array<i32>} : memref<8192xi32, #tpu.memory_space<vmem>>, vector<16xi32>,
          tpu.vector_store %arg7[%swap3A_495], %add3A_483 {strides = array<i32>} : memref<8192xi32, #tpu.memory_space<vmem>>, vector<16xi32>,
          %add3A_497 = arith.constant 768 : i32
          %add3A_498 = vector.broadcast %add3A_497 : i32 to vector<16xi32>
          %add3A_499 = arith.addi %add3A_400, %add3A_498 : vector<16xi32>
          %add3A_500 = arith.constant 0 : i32
          %add3A_501 = arith.addi %add3A_500, %scan3A_32 : i32
          %mul3A_502 = arith.constant 8 : i32
          %mul3A_503 = arith.muli %add3A_501, %mul3A_502 : i32
          %add3A_504 = arith.constant 6 : i32
          %add3A_505 = arith.addi %mul3A_503, %add3A_504 : i32
          %mul3A_506 = arith.constant 8 : i32
          %mul3A_507 = arith.muli %add3A_505, %mul3A_506 : i32
          %add3A_508 = arith.addi %mul3A_507, %scan3A_45 : i32
          %mul3A_509 = arith.constant 16 : i32
          %mul3A_510 = arith.muli %add3A_508, %mul3A_509 : i32
          %swap3A_511 = arith.index_cast %mul3A_510 : i32 to index
          %swap3A_512 = tpu.vector_load %arg7[%swap3A_511] {strides = array<i32>} : memref<8192xi32, #tpu.memory_space<vmem>>, vector<16xi32>,
          tpu.vector_store %arg7[%swap3A_511], %add3A_499 {strides = array<i32>} : memref<8192xi32, #tpu.memory_space<vmem>>, vector<16xi32>,
          %add3A_513 = arith.constant 896 : i32
          %add3A_514 = vector.broadcast %add3A_513 : i32 to vector<16xi32>
          %add3A_515 = arith.addi %add3A_400, %add3A_514 : vector<16xi32>
          %add3A_516 = arith.constant 0 : i32
          %add3A_517 = arith.addi %add3A_516, %scan3A_32 : i32
          %mul3A_518 = arith.constant 8 : i32
          %mul3A_519 = arith.muli %add3A_517, %mul3A_518 : i32
          %add3A_520 = arith.constant 7 : i32
          %add3A_521 = arith.addi %mul3A_519, %add3A_520 : i32
          %mul3A_522 = arith.constant 8 : i32
          %mul3A_523 = arith.muli %add3A_521, %mul3A_522 : i32
          %add3A_524 = arith.addi %mul3A_523, %scan3A_45 : i32
          %mul3A_525 = arith.constant 16 : i32
          %mul3A_526 = arith.muli %add3A_524, %mul3A_525 : i32
          %swap3A_527 = arith.index_cast %mul3A_526 : i32 to index
          %swap3A_528 = tpu.vector_load %arg7[%swap3A_527] {strides = array<i32>} : memref<8192xi32, #tpu.memory_space<vmem>>, vector<16xi32>,
          tpu.vector_store %arg7[%swap3A_527], %add3A_515 {strides = array<i32>} : memref<8192xi32, #tpu.memory_space<vmem>>, vector<16xi32>,
          %add3A_529 = arith.constant 8388608 : i32
          %add3A_530 = vector.broadcast %add3A_529 : i32 to vector<16xi32>
          %add3A_531 = arith.addi %add3A_400, %add3A_530 : vector<16xi32>
          %add3A_532 = arith.constant 4 : i32
          %add3A_533 = arith.addi %add3A_532, %scan3A_32 : i32
          %mul3A_534 = arith.constant 8 : i32
          %mul3A_535 = arith.muli %add3A_533, %mul3A_534 : i32
          %add3A_536 = arith.constant 0 : i32
          %add3A_537 = arith.addi %mul3A_535, %add3A_536 : i32
          %mul3A_538 = arith.constant 8 : i32
          %mul3A_539 = arith.muli %add3A_537, %mul3A_538 : i32
          %add3A_540 = arith.addi %mul3A_539, %scan3A_45 : i32
          %mul3A_541 = arith.constant 16 : i32
          %mul3A_542 = arith.muli %add3A_540, %mul3A_541 : i32
          %swap3A_543 = arith.index_cast %mul3A_542 : i32 to index
          %swap3A_544 = tpu.vector_load %arg7[%swap3A_543] {strides = array<i32>} : memref<8192xi32, #tpu.memory_space<vmem>>, vector<16xi32>,
          tpu.vector_store %arg7[%swap3A_543], %add3A_531 {strides = array<i32>} : memref<8192xi32, #tpu.memory_space<vmem>>, vector<16xi32>,
          %add3A_545 = arith.constant 8388736 : i32
          %add3A_546 = vector.broadcast %add3A_545 : i32 to vector<16xi32>
          %add3A_547 = arith.addi %add3A_400, %add3A_546 : vector<16xi32>
          %add3A_548 = arith.constant 4 : i32
          %add3A_549 = arith.addi %add3A_548, %scan3A_32 : i32
          %mul3A_550 = arith.constant 8 : i32
          %mul3A_551 = arith.muli %add3A_549, %mul3A_550 : i32
          %add3A_552 = arith.constant 1 : i32
          %add3A_553 = arith.addi %mul3A_551, %add3A_552 : i32
          %mul3A_554 = arith.constant 8 : i32
          %mul3A_555 = arith.muli %add3A_553, %mul3A_554 : i32
          %add3A_556 = arith.addi %mul3A_555, %scan3A_45 : i32
          %mul3A_557 = arith.constant 16 : i32
          %mul3A_558 = arith.muli %add3A_556, %mul3A_557 : i32
          %swap3A_559 = arith.index_cast %mul3A_558 : i32 to index
          %swap3A_560 = tpu.vector_load %arg7[%swap3A_559] {strides = array<i32>} : memref<8192xi32, #tpu.memory_space<vmem>>, vector<16xi32>,
          tpu.vector_store %arg7[%swap3A_559], %add3A_547 {strides = array<i32>} : memref<8192xi32, #tpu.memory_space<vmem>>, vector<16xi32>,
          %add3A_561 = arith.constant 8388864 : i32
          %add3A_562 = vector.broadcast %add3A_561 : i32 to vector<16xi32>
          %add3A_563 = arith.addi %add3A_400, %add3A_562 : vector<16xi32>
          %add3A_564 = arith.constant 4 : i32
          %add3A_565 = arith.addi %add3A_564, %scan3A_32 : i32
          %mul3A_566 = arith.constant 8 : i32
          %mul3A_567 = arith.muli %add3A_565, %mul3A_566 : i32
          %add3A_568 = arith.constant 2 : i32
          %add3A_569 = arith.addi %mul3A_567, %add3A_568 : i32
          %mul3A_570 = arith.constant 8 : i32
          %mul3A_571 = arith.muli %add3A_569, %mul3A_570 : i32
          %add3A_572 = arith.addi %mul3A_571, %scan3A_45 : i32
          %mul3A_573 = arith.constant 16 : i32
          %mul3A_574 = arith.muli %add3A_572, %mul3A_573 : i32
          %swap3A_575 = arith.index_cast %mul3A_574 : i32 to index
          %swap3A_576 = tpu.vector_load %arg7[%swap3A_575] {strides = array<i32>} : memref<8192xi32, #tpu.memory_space<vmem>>, vector<16xi32>,
          tpu.vector_store %arg7[%swap3A_575], %add3A_563 {strides = array<i32>} : memref<8192xi32, #tpu.memory_space<vmem>>, vector<16xi32>,
          %add3A_577 = arith.constant 8388992 : i32
          %add3A_578 = vector.broadcast %add3A_577 : i32 to vector<16xi32>
          %add3A_579 = arith.addi %add3A_400, %add3A_578 : vector<16xi32>
          %add3A_580 = arith.constant 4 : i32
          %add3A_581 = arith.addi %add3A_580, %scan3A_32 : i32
          %mul3A_582 = arith.constant 8 : i32
          %mul3A_583 = arith.muli %add3A_581, %mul3A_582 : i32
          %add3A_584 = arith.constant 3 : i32
          %add3A_585 = arith.addi %mul3A_583, %add3A_584 : i32
          %mul3A_586 = arith.constant 8 : i32
          %mul3A_587 = arith.muli %add3A_585, %mul3A_586 : i32
          %add3A_588 = arith.addi %mul3A_587, %scan3A_45 : i32
          %mul3A_589 = arith.constant 16 : i32
          %mul3A_590 = arith.muli %add3A_588, %mul3A_589 : i32
          %swap3A_591 = arith.index_cast %mul3A_590 : i32 to index
          %swap3A_592 = tpu.vector_load %arg7[%swap3A_591] {strides = array<i32>} : memref<8192xi32, #tpu.memory_space<vmem>>, vector<16xi32>,
          tpu.vector_store %arg7[%swap3A_591], %add3A_579 {strides = array<i32>} : memref<8192xi32, #tpu.memory_space<vmem>>, vector<16xi32>,
          %add3A_593 = arith.constant 8389120 : i32
          %add3A_594 = vector.broadcast %add3A_593 : i32 to vector<16xi32>
          %add3A_595 = arith.addi %add3A_400, %add3A_594 : vector<16xi32>
          %add3A_596 = arith.constant 4 : i32
          %add3A_597 = arith.addi %add3A_596, %scan3A_32 : i32
          %mul3A_598 = arith.constant 8 : i32
          %mul3A_599 = arith.muli %add3A_597, %mul3A_598 : i32
          %add3A_600 = arith.constant 4 : i32
          %add3A_601 = arith.addi %mul3A_599, %add3A_600 : i32
          %mul3A_602 = arith.constant 8 : i32
          %mul3A_603 = arith.muli %add3A_601, %mul3A_602 : i32
          %add3A_604 = arith.addi %mul3A_603, %scan3A_45 : i32
          %mul3A_605 = arith.constant 16 : i32
          %mul3A_606 = arith.muli %add3A_604, %mul3A_605 : i32
          %swap3A_607 = arith.index_cast %mul3A_606 : i32 to index
          %swap3A_608 = tpu.vector_load %arg7[%swap3A_607] {strides = array<i32>} : memref<8192xi32, #tpu.memory_space<vmem>>, vector<16xi32>,
          tpu.vector_store %arg7[%swap3A_607], %add3A_595 {strides = array<i32>} : memref<8192xi32, #tpu.memory_space<vmem>>, vector<16xi32>,
          %add3A_609 = arith.constant 8389248 : i32
          %add3A_610 = vector.broadcast %add3A_609 : i32 to vector<16xi32>
          %add3A_611 = arith.addi %add3A_400, %add3A_610 : vector<16xi32>
          %add3A_612 = arith.constant 4 : i32
          %add3A_613 = arith.addi %add3A_612, %scan3A_32 : i32
          %mul3A_614 = arith.constant 8 : i32
          %mul3A_615 = arith.muli %add3A_613, %mul3A_614 : i32
          %add3A_616 = arith.constant 5 : i32
          %add3A_617 = arith.addi %mul3A_615, %add3A_616 : i32
          %mul3A_618 = arith.constant 8 : i32
          %mul3A_619 = arith.muli %add3A_617, %mul3A_618 : i32
          %add3A_620 = arith.addi %mul3A_619, %scan3A_45 : i32
          %mul3A_621 = arith.constant 16 : i32
          %mul3A_622 = arith.muli %add3A_620, %mul3A_621 : i32
          %swap3A_623 = arith.index_cast %mul3A_622 : i32 to index
          %swap3A_624 = tpu.vector_load %arg7[%swap3A_623] {strides = array<i32>} : memref<8192xi32, #tpu.memory_space<vmem>>, vector<16xi32>,
          tpu.vector_store %arg7[%swap3A_623], %add3A_611 {strides = array<i32>} : memref<8192xi32, #tpu.memory_space<vmem>>, vector<16xi32>,
          %add3A_625 = arith.constant 8389376 : i32
          %add3A_626 = vector.broadcast %add3A_625 : i32 to vector<16xi32>
          %add3A_627 = arith.addi %add3A_400, %add3A_626 : vector<16xi32>
          %add3A_628 = arith.constant 4 : i32
          %add3A_629 = arith.addi %add3A_628, %scan3A_32 : i32
          %mul3A_630 = arith.constant 8 : i32
          %mul3A_631 = arith.muli %add3A_629, %mul3A_630 : i32
          %add3A_632 = arith.constant 6 : i32
          %add3A_633 = arith.addi %mul3A_631, %add3A_632 : i32
          %mul3A_634 = arith.constant 8 : i32
          %mul3A_635 = arith.muli %add3A_633, %mul3A_634 : i32
          %add3A_636 = arith.addi %mul3A_635, %scan3A_45 : i32
          %mul3A_637 = arith.constant 16 : i32
          %mul3A_638 = arith.muli %add3A_636, %mul3A_637 : i32
          %swap3A_639 = arith.index_cast %mul3A_638 : i32 to index
          %swap3A_640 = tpu.vector_load %arg7[%swap3A_639] {strides = array<i32>} : memref<8192xi32, #tpu.memory_space<vmem>>, vector<16xi32>,
          tpu.vector_store %arg7[%swap3A_639], %add3A_627 {strides = array<i32>} : memref<8192xi32, #tpu.memory_space<vmem>>, vector<16xi32>,
          %add3A_641 = arith.constant 8389504 : i32
          %add3A_642 = vector.broadcast %add3A_641 : i32 to vector<16xi32>
          %add3A_643 = arith.addi %add3A_400, %add3A_642 : vector<16xi32>
          %add3A_644 = arith.constant 4 : i32
          %add3A_645 = arith.addi %add3A_644, %scan3A_32 : i32
          %mul3A_646 = arith.constant 8 : i32
          %mul3A_647 = arith.muli %add3A_645, %mul3A_646 : i32
          %add3A_648 = arith.constant 7 : i32
          %add3A_649 = arith.addi %mul3A_647, %add3A_648 : i32
          %mul3A_650 = arith.constant 8 : i32
          %mul3A_651 = arith.muli %add3A_649, %mul3A_650 : i32
          %add3A_652 = arith.addi %mul3A_651, %scan3A_45 : i32
          %mul3A_653 = arith.constant 16 : i32
          %mul3A_654 = arith.muli %add3A_652, %mul3A_653 : i32
          %swap3A_655 = arith.index_cast %mul3A_654 : i32 to index
          %swap3A_656 = tpu.vector_load %arg7[%swap3A_655] {strides = array<i32>} : memref<8192xi32, #tpu.memory_space<vmem>>, vector<16xi32>,
          tpu.vector_store %arg7[%swap3A_655], %add3A_643 {strides = array<i32>} : memref<8192xi32, #tpu.memory_space<vmem>>, vector<16xi32>,
        }
        %scan3A_38 = arith.constant 8 : i32
        %scan3A_39 = arith.constant 0 : i32
        %scan3A_40 = arith.constant 0 : i32
        %scan3A_41 = arith.constant 8 : i32
        %scan3A_42 = arith.addi %scan3A_40, %scan3A_41 : i32
        %scan3A_43 = arith.constant 1 : i32
        scf.for %scan3A_45 = %scan3A_40 to %scan3A_42 step %scan3A_43  : i32 {
          %add3A_46 = arith.constant 0 : i32
          %add3A_47 = arith.addi %add3A_46, %scan3A_32 : i32
          %mul3A_48 = arith.constant 8 : i32
          %mul3A_49 = arith.muli %add3A_47, %mul3A_48 : i32
          %add3A_50 = arith.addi %mul3A_49, %scan3A_45 : i32
          %mul3A_51 = arith.constant 128 : i32
          %mul3A_52 = arith.muli %add3A_50, %mul3A_51 : i32
          %dma_start3A = tpu.memref_slice %arg8[%mul3A_52] : memref<8192xf32, #tpu.memory_space<vmem>> -> memref<128xf32, #tpu.memory_space<vmem>>
          %dma_start3A_53 = tpu.memref_slice %arg7[%mul3A_52] : memref<8192xi32, #tpu.memory_space<vmem>> -> memref<128xi32, #tpu.memory_space<vmem>>
          %dma_start3A_54 = arith.constant 0 : i32
          %dma_start3A_55 = tpu.memref_slice %arg3[%dma_start3A_54] : memref<16777216xf32, #tpu.memory_space<hbm>> -> memref<16777216xf32, #tpu.memory_space<hbm>>
          %dma_start3A_56 = tpu.memref_slice %run_scoped3A[%scan3A_32] : memref<4x!tpu.dma_semaphore, #tpu.memory_space<semaphore_mem>> -> memref<1x!tpu.dma_semaphore, #tpu.memory_space<semaphore_mem>>
          %dma_start3A_57 = tpu.memref_squeeze %dma_start3A_56 : memref<1x!tpu.dma_semaphore, #tpu.memory_space<semaphore_mem>> -> memref<!tpu.dma_semaphore, #tpu.memory_space<semaphore_mem>>
          tpu.enqueue_indirect_dma source(%dma_start3A_55 : memref<16777216xf32, #tpu.memory_space<hbm>>) target(%dma_start3A : memref<128xf32, #tpu.memory_space<vmem>>) offsets(%dma_start3A_53 : memref<128xi32, #tpu.memory_space<vmem>>) semaphore(%dma_start3A_57 : memref<!tpu.dma_semaphore, #tpu.memory_space<semaphore_mem>>)
          %add3A_58 = arith.constant 4 : i32
          %add3A_59 = arith.addi %add3A_58, %scan3A_32 : i32
          %mul3A_60 = arith.constant 8 : i32
          %mul3A_61 = arith.muli %add3A_59, %mul3A_60 : i32
          %add3A_62 = arith.addi %mul3A_61, %scan3A_45 : i32
          %mul3A_63 = arith.constant 128 : i32
          %mul3A_64 = arith.muli %add3A_62, %mul3A_63 : i32
          %dma_start3A_65 = tpu.memref_slice %arg8[%mul3A_64] : memref<8192xf32, #tpu.memory_space<vmem>> -> memref<128xf32, #tpu.memory_space<vmem>>
          %dma_start3A_66 = tpu.memref_slice %arg7[%mul3A_64] : memref<8192xi32, #tpu.memory_space<vmem>> -> memref<128xi32, #tpu.memory_space<vmem>>
          %dma_start3A_67 = arith.constant 0 : i32
          %dma_start3A_68 = tpu.memref_slice %arg3[%dma_start3A_67] : memref<16777216xf32, #tpu.memory_space<hbm>> -> memref<16777216xf32, #tpu.memory_space<hbm>>
          %dma_start3A_69 = tpu.memref_slice %run_scoped3A[%scan3A_32] : memref<4x!tpu.dma_semaphore, #tpu.memory_space<semaphore_mem>> -> memref<1x!tpu.dma_semaphore, #tpu.memory_space<semaphore_mem>>
          %dma_start3A_70 = tpu.memref_squeeze %dma_start3A_69 : memref<1x!tpu.dma_semaphore, #tpu.memory_space<semaphore_mem>> -> memref<!tpu.dma_semaphore, #tpu.memory_space<semaphore_mem>>
          tpu.enqueue_indirect_dma source(%dma_start3A_68 : memref<16777216xf32, #tpu.memory_space<hbm>>) target(%dma_start3A_65 : memref<128xf32, #tpu.memory_space<vmem>>) offsets(%dma_start3A_66 : memref<128xi32, #tpu.memory_space<vmem>>) semaphore(%dma_start3A_70 : memref<!tpu.dma_semaphore, #tpu.memory_space<semaphore_mem>>)
        }
        %scan3A_44 = arith.constant 8 : i32
      }
      %scan3A_19 = arith.constant 4 : i32
      %scan3A_20 = arith.constant 0 : i32
      %scan3A_21 = arith.constant 0 : i32
      %scan3A_22 = arith.constant 4 : i32
      %scan3A_23 = arith.addi %scan3A_21, %scan3A_22 : i32
      %scan3A_24 = arith.constant 1 : i32
      scf.for %scan3A_32 = %scan3A_21 to %scan3A_23 step %scan3A_24  : i32 {
        %scan3A_33 = arith.constant 0 : i32
        %scan3A_34 = arith.constant 0 : i32
        %scan3A_35 = arith.constant 8 : i32
        %scan3A_36 = arith.addi %scan3A_34, %scan3A_35 : i32
        %scan3A_37 = arith.constant 1 : i32
        scf.for %scan3A_74 = %scan3A_34 to %scan3A_36 step %scan3A_37  : i32 {
          %add3A_75 = arith.constant 0 : i32
          %add3A_76 = arith.addi %add3A_75, %scan3A_32 : i32
          %mul3A_77 = arith.constant 8 : i32
          %mul3A_78 = arith.muli %add3A_76, %mul3A_77 : i32
          %add3A_79 = arith.addi %mul3A_78, %scan3A_74 : i32
          %mul3A_80 = arith.constant 128 : i32
          %mul3A_81 = arith.muli %add3A_79, %mul3A_80 : i32
          %dma_wait3A = tpu.memref_slice %arg8[%mul3A_81] : memref<8192xf32, #tpu.memory_space<vmem>> -> memref<128xf32, #tpu.memory_space<vmem>>
          %dma_wait3A_82 = tpu.memref_slice %arg7[%mul3A_81] : memref<8192xi32, #tpu.memory_space<vmem>> -> memref<128xi32, #tpu.memory_space<vmem>>
          %dma_wait3A_83 = arith.constant 0 : i32
          %dma_wait3A_84 = tpu.memref_slice %arg3[%dma_wait3A_83] : memref<16777216xf32, #tpu.memory_space<hbm>> -> memref<16777216xf32, #tpu.memory_space<hbm>>
          %dma_wait3A_85 = tpu.memref_slice %run_scoped3A[%scan3A_32] : memref<4x!tpu.dma_semaphore, #tpu.memory_space<semaphore_mem>> -> memref<1x!tpu.dma_semaphore, #tpu.memory_space<semaphore_mem>>
          %dma_wait3A_86 = tpu.memref_squeeze %dma_wait3A_85 : memref<1x!tpu.dma_semaphore, #tpu.memory_space<semaphore_mem>> -> memref<!tpu.dma_semaphore, #tpu.memory_space<semaphore_mem>>
          tpu.wait_indirect_dma semaphore(%dma_wait3A_86 : memref<!tpu.dma_semaphore, #tpu.memory_space<semaphore_mem>>) src(%dma_wait3A_84 : memref<16777216xf32, #tpu.memory_space<hbm>>) dst(%dma_wait3A : memref<128xf32, #tpu.memory_space<vmem>>)
          %add3A_87 = arith.constant 4 : i32
          %add3A_88 = arith.addi %add3A_87, %scan3A_32 : i32
          %mul3A_89 = arith.constant 8 : i32
          %mul3A_90 = arith.muli %add3A_88, %mul3A_89 : i32
          %add3A_91 = arith.addi %mul3A_90, %scan3A_74 : i32
          %mul3A_92 = arith.constant 128 : i32
          %mul3A_93 = arith.muli %add3A_91, %mul3A_92 : i32
          %dma_wait3A_94 = tpu.memref_slice %arg8[%mul3A_93] : memref<8192xf32, #tpu.memory_space<vmem>> -> memref<128xf32, #tpu.memory_space<vmem>>
          %dma_wait3A_95 = tpu.memref_slice %arg7[%mul3A_93] : memref<8192xi32, #tpu.memory_space<vmem>> -> memref<128xi32, #tpu.memory_space<vmem>>
          %dma_wait3A_96 = arith.constant 0 : i32
          %dma_wait3A_97 = tpu.memref_slice %arg3[%dma_wait3A_96] : memref<16777216xf32, #tpu.memory_space<hbm>> -> memref<16777216xf32, #tpu.memory_space<hbm>>
          %dma_wait3A_98 = tpu.memref_slice %run_scoped3A[%scan3A_32] : memref<4x!tpu.dma_semaphore, #tpu.memory_space<semaphore_mem>> -> memref<1x!tpu.dma_semaphore, #tpu.memory_space<semaphore_mem>>
          %dma_wait3A_99 = tpu.memref_squeeze %dma_wait3A_98 : memref<1x!tpu.dma_semaphore, #tpu.memory_space<semaphore_mem>> -> memref<!tpu.dma_semaphore, #tpu.memory_space<semaphore_mem>>
          tpu.wait_indirect_dma semaphore(%dma_wait3A_99 : memref<!tpu.dma_semaphore, #tpu.memory_space<semaphore_mem>>) src(%dma_wait3A_97 : memref<16777216xf32, #tpu.memory_space<hbm>>) dst(%dma_wait3A_94 : memref<128xf32, #tpu.memory_space<vmem>>)
        }
        %scan3A_38 = arith.constant 8 : i32
        %scan3A_39 = arith.constant 0 : i32
        %scan3A_40 = arith.constant 0 : i32
        %scan3A_41 = arith.constant 8 : i32
        %scan3A_42 = arith.addi %scan3A_40, %scan3A_41 : i32
        %scan3A_43 = arith.constant 1 : i32
        scf.for %scan3A_74 = %scan3A_40 to %scan3A_42 step %scan3A_43  : i32 {
          %mul3A_75 = arith.constant 128 : i32
          %mul3A_76 = arith.muli %scan3A_32, %mul3A_75 : i32
          %mul3A_77 = arith.constant 16 : i32
          %mul3A_78 = arith.muli %scan3A_74, %mul3A_77 : i32
          %add3A_79 = arith.addi %mul3A_76, %mul3A_78 : i32
          %get3A = arith.index_cast %add3A_79 : i32 to index
          %get3A_80 = tpu.vector_load %arg6[%get3A] {strides = array<i32>} : memref<512xf32, #tpu.memory_space<vmem>>, vector<16xf32>,
          %add3A_81 = arith.constant 0 : i32
          %add3A_82 = arith.addi %add3A_81, %scan3A_32 : i32
          %mul3A_83 = arith.constant 8 : i32
          %mul3A_84 = arith.muli %add3A_82, %mul3A_83 : i32
          %add3A_85 = arith.constant 0 : i32
          %add3A_86 = arith.addi %mul3A_84, %add3A_85 : i32
          %mul3A_87 = arith.constant 128 : i32
          %mul3A_88 = arith.muli %add3A_86, %mul3A_87 : i32
          %mul3A_89 = arith.constant 16 : i32
          %mul3A_90 = arith.muli %scan3A_74, %mul3A_89 : i32
          %add3A_91 = arith.addi %mul3A_88, %mul3A_90 : i32
          %get3A_92 = arith.index_cast %add3A_91 : i32 to index
          %get3A_93 = tpu.vector_load %arg8[%get3A_92] {strides = array<i32>} : memref<8192xf32, #tpu.memory_space<vmem>>, vector<16xf32>,
          %mul3A_94 = arith.mulf %get3A_93, %get3A_80 : vector<16xf32>
          %swap3A = arith.index_cast %add3A_91 : i32 to index
          %swap3A_95 = tpu.vector_load %arg8[%swap3A] {strides = array<i32>} : memref<8192xf32, #tpu.memory_space<vmem>>, vector<16xf32>,
          tpu.vector_store %arg8[%swap3A], %mul3A_94 {strides = array<i32>} : memref<8192xf32, #tpu.memory_space<vmem>>, vector<16xf32>,
          %add3A_96 = arith.constant 0 : i32
          %add3A_97 = arith.addi %add3A_96, %scan3A_32 : i32
          %mul3A_98 = arith.constant 8 : i32
          %mul3A_99 = arith.muli %add3A_97, %mul3A_98 : i32
          %add3A_100 = arith.constant 1 : i32
          %add3A_101 = arith.addi %mul3A_99, %add3A_100 : i32
          %mul3A_102 = arith.constant 128 : i32
          %mul3A_103 = arith.muli %add3A_101, %mul3A_102 : i32
          %mul3A_104 = arith.constant 16 : i32
          %mul3A_105 = arith.muli %scan3A_74, %mul3A_104 : i32
          %add3A_106 = arith.addi %mul3A_103, %mul3A_105 : i32
          %get3A_107 = arith.index_cast %add3A_106 : i32 to index
          %get3A_108 = tpu.vector_load %arg8[%get3A_107] {strides = array<i32>} : memref<8192xf32, #tpu.memory_space<vmem>>, vector<16xf32>,
          %mul3A_109 = arith.mulf %get3A_108, %get3A_80 : vector<16xf32>
          %swap3A_110 = arith.index_cast %add3A_106 : i32 to index
          %swap3A_111 = tpu.vector_load %arg8[%swap3A_110] {strides = array<i32>} : memref<8192xf32, #tpu.memory_space<vmem>>, vector<16xf32>,
          tpu.vector_store %arg8[%swap3A_110], %mul3A_109 {strides = array<i32>} : memref<8192xf32, #tpu.memory_space<vmem>>, vector<16xf32>,
          %add3A_112 = arith.constant 0 : i32
          %add3A_113 = arith.addi %add3A_112, %scan3A_32 : i32
          %mul3A_114 = arith.constant 8 : i32
          %mul3A_115 = arith.muli %add3A_113, %mul3A_114 : i32
          %add3A_116 = arith.constant 2 : i32
          %add3A_117 = arith.addi %mul3A_115, %add3A_116 : i32
          %mul3A_118 = arith.constant 128 : i32
          %mul3A_119 = arith.muli %add3A_117, %mul3A_118 : i32
          %mul3A_120 = arith.constant 16 : i32
          %mul3A_121 = arith.muli %scan3A_74, %mul3A_120 : i32
          %add3A_122 = arith.addi %mul3A_119, %mul3A_121 : i32
          %get3A_123 = arith.index_cast %add3A_122 : i32 to index
          %get3A_124 = tpu.vector_load %arg8[%get3A_123] {strides = array<i32>} : memref<8192xf32, #tpu.memory_space<vmem>>, vector<16xf32>,
          %mul3A_125 = arith.mulf %get3A_124, %get3A_80 : vector<16xf32>
          %swap3A_126 = arith.index_cast %add3A_122 : i32 to index
          %swap3A_127 = tpu.vector_load %arg8[%swap3A_126] {strides = array<i32>} : memref<8192xf32, #tpu.memory_space<vmem>>, vector<16xf32>,
          tpu.vector_store %arg8[%swap3A_126], %mul3A_125 {strides = array<i32>} : memref<8192xf32, #tpu.memory_space<vmem>>, vector<16xf32>,
          %add3A_128 = arith.constant 0 : i32
          %add3A_129 = arith.addi %add3A_128, %scan3A_32 : i32
          %mul3A_130 = arith.constant 8 : i32
          %mul3A_131 = arith.muli %add3A_129, %mul3A_130 : i32
          %add3A_132 = arith.constant 3 : i32
          %add3A_133 = arith.addi %mul3A_131, %add3A_132 : i32
          %mul3A_134 = arith.constant 128 : i32
          %mul3A_135 = arith.muli %add3A_133, %mul3A_134 : i32
          %mul3A_136 = arith.constant 16 : i32
          %mul3A_137 = arith.muli %scan3A_74, %mul3A_136 : i32
          %add3A_138 = arith.addi %mul3A_135, %mul3A_137 : i32
          %get3A_139 = arith.index_cast %add3A_138 : i32 to index
          %get3A_140 = tpu.vector_load %arg8[%get3A_139] {strides = array<i32>} : memref<8192xf32, #tpu.memory_space<vmem>>, vector<16xf32>,
          %mul3A_141 = arith.mulf %get3A_140, %get3A_80 : vector<16xf32>
          %swap3A_142 = arith.index_cast %add3A_138 : i32 to index
          %swap3A_143 = tpu.vector_load %arg8[%swap3A_142] {strides = array<i32>} : memref<8192xf32, #tpu.memory_space<vmem>>, vector<16xf32>,
          tpu.vector_store %arg8[%swap3A_142], %mul3A_141 {strides = array<i32>} : memref<8192xf32, #tpu.memory_space<vmem>>, vector<16xf32>,
          %add3A_144 = arith.constant 0 : i32
          %add3A_145 = arith.addi %add3A_144, %scan3A_32 : i32
          %mul3A_146 = arith.constant 8 : i32
          %mul3A_147 = arith.muli %add3A_145, %mul3A_146 : i32
          %add3A_148 = arith.constant 4 : i32
          %add3A_149 = arith.addi %mul3A_147, %add3A_148 : i32
          %mul3A_150 = arith.constant 128 : i32
          %mul3A_151 = arith.muli %add3A_149, %mul3A_150 : i32
          %mul3A_152 = arith.constant 16 : i32
          %mul3A_153 = arith.muli %scan3A_74, %mul3A_152 : i32
          %add3A_154 = arith.addi %mul3A_151, %mul3A_153 : i32
          %get3A_155 = arith.index_cast %add3A_154 : i32 to index
          %get3A_156 = tpu.vector_load %arg8[%get3A_155] {strides = array<i32>} : memref<8192xf32, #tpu.memory_space<vmem>>, vector<16xf32>,
          %mul3A_157 = arith.mulf %get3A_156, %get3A_80 : vector<16xf32>
          %swap3A_158 = arith.index_cast %add3A_154 : i32 to index
          %swap3A_159 = tpu.vector_load %arg8[%swap3A_158] {strides = array<i32>} : memref<8192xf32, #tpu.memory_space<vmem>>, vector<16xf32>,
          tpu.vector_store %arg8[%swap3A_158], %mul3A_157 {strides = array<i32>} : memref<8192xf32, #tpu.memory_space<vmem>>, vector<16xf32>,
          %add3A_160 = arith.constant 0 : i32
          %add3A_161 = arith.addi %add3A_160, %scan3A_32 : i32
          %mul3A_162 = arith.constant 8 : i32
          %mul3A_163 = arith.muli %add3A_161, %mul3A_162 : i32
          %add3A_164 = arith.constant 5 : i32
          %add3A_165 = arith.addi %mul3A_163, %add3A_164 : i32
          %mul3A_166 = arith.constant 128 : i32
          %mul3A_167 = arith.muli %add3A_165, %mul3A_166 : i32
          %mul3A_168 = arith.constant 16 : i32
          %mul3A_169 = arith.muli %scan3A_74, %mul3A_168 : i32
          %add3A_170 = arith.addi %mul3A_167, %mul3A_169 : i32
          %get3A_171 = arith.index_cast %add3A_170 : i32 to index
          %get3A_172 = tpu.vector_load %arg8[%get3A_171] {strides = array<i32>} : memref<8192xf32, #tpu.memory_space<vmem>>, vector<16xf32>,
          %mul3A_173 = arith.mulf %get3A_172, %get3A_80 : vector<16xf32>
          %swap3A_174 = arith.index_cast %add3A_170 : i32 to index
          %swap3A_175 = tpu.vector_load %arg8[%swap3A_174] {strides = array<i32>} : memref<8192xf32, #tpu.memory_space<vmem>>, vector<16xf32>,
          tpu.vector_store %arg8[%swap3A_174], %mul3A_173 {strides = array<i32>} : memref<8192xf32, #tpu.memory_space<vmem>>, vector<16xf32>,
          %add3A_176 = arith.constant 0 : i32
          %add3A_177 = arith.addi %add3A_176, %scan3A_32 : i32
          %mul3A_178 = arith.constant 8 : i32
          %mul3A_179 = arith.muli %add3A_177, %mul3A_178 : i32
          %add3A_180 = arith.constant 6 : i32
          %add3A_181 = arith.addi %mul3A_179, %add3A_180 : i32
          %mul3A_182 = arith.constant 128 : i32
          %mul3A_183 = arith.muli %add3A_181, %mul3A_182 : i32
          %mul3A_184 = arith.constant 16 : i32
          %mul3A_185 = arith.muli %scan3A_74, %mul3A_184 : i32
          %add3A_186 = arith.addi %mul3A_183, %mul3A_185 : i32
          %get3A_187 = arith.index_cast %add3A_186 : i32 to index
          %get3A_188 = tpu.vector_load %arg8[%get3A_187] {strides = array<i32>} : memref<8192xf32, #tpu.memory_space<vmem>>, vector<16xf32>,
          %mul3A_189 = arith.mulf %get3A_188, %get3A_80 : vector<16xf32>
          %swap3A_190 = arith.index_cast %add3A_186 : i32 to index
          %swap3A_191 = tpu.vector_load %arg8[%swap3A_190] {strides = array<i32>} : memref<8192xf32, #tpu.memory_space<vmem>>, vector<16xf32>,
          tpu.vector_store %arg8[%swap3A_190], %mul3A_189 {strides = array<i32>} : memref<8192xf32, #tpu.memory_space<vmem>>, vector<16xf32>,
          %add3A_192 = arith.constant 0 : i32
          %add3A_193 = arith.addi %add3A_192, %scan3A_32 : i32
          %mul3A_194 = arith.constant 8 : i32
          %mul3A_195 = arith.muli %add3A_193, %mul3A_194 : i32
          %add3A_196 = arith.constant 7 : i32
          %add3A_197 = arith.addi %mul3A_195, %add3A_196 : i32
          %mul3A_198 = arith.constant 128 : i32
          %mul3A_199 = arith.muli %add3A_197, %mul3A_198 : i32
          %mul3A_200 = arith.constant 16 : i32
          %mul3A_201 = arith.muli %scan3A_74, %mul3A_200 : i32
          %add3A_202 = arith.addi %mul3A_199, %mul3A_201 : i32
          %get3A_203 = arith.index_cast %add3A_202 : i32 to index
          %get3A_204 = tpu.vector_load %arg8[%get3A_203] {strides = array<i32>} : memref<8192xf32, #tpu.memory_space<vmem>>, vector<16xf32>,
          %mul3A_205 = arith.mulf %get3A_204, %get3A_80 : vector<16xf32>
          %swap3A_206 = arith.index_cast %add3A_202 : i32 to index
          %swap3A_207 = tpu.vector_load %arg8[%swap3A_206] {strides = array<i32>} : memref<8192xf32, #tpu.memory_space<vmem>>, vector<16xf32>,
          tpu.vector_store %arg8[%swap3A_206], %mul3A_205 {strides = array<i32>} : memref<8192xf32, #tpu.memory_space<vmem>>, vector<16xf32>,
          %add3A_208 = arith.constant 4 : i32
          %add3A_209 = arith.addi %add3A_208, %scan3A_32 : i32
          %mul3A_210 = arith.constant 8 : i32
          %mul3A_211 = arith.muli %add3A_209, %mul3A_210 : i32
          %add3A_212 = arith.constant 0 : i32
          %add3A_213 = arith.addi %mul3A_211, %add3A_212 : i32
          %mul3A_214 = arith.constant 128 : i32
          %mul3A_215 = arith.muli %add3A_213, %mul3A_214 : i32
          %mul3A_216 = arith.constant 16 : i32
          %mul3A_217 = arith.muli %scan3A_74, %mul3A_216 : i32
          %add3A_218 = arith.addi %mul3A_215, %mul3A_217 : i32
          %get3A_219 = arith.index_cast %add3A_218 : i32 to index
          %get3A_220 = tpu.vector_load %arg8[%get3A_219] {strides = array<i32>} : memref<8192xf32, #tpu.memory_space<vmem>>, vector<16xf32>,
          %mul3A_221 = arith.mulf %get3A_220, %get3A_80 : vector<16xf32>
          %swap3A_222 = arith.index_cast %add3A_218 : i32 to index
          %swap3A_223 = tpu.vector_load %arg8[%swap3A_222] {strides = array<i32>} : memref<8192xf32, #tpu.memory_space<vmem>>, vector<16xf32>,
          tpu.vector_store %arg8[%swap3A_222], %mul3A_221 {strides = array<i32>} : memref<8192xf32, #tpu.memory_space<vmem>>, vector<16xf32>,
          %add3A_224 = arith.constant 4 : i32
          %add3A_225 = arith.addi %add3A_224, %scan3A_32 : i32
          %mul3A_226 = arith.constant 8 : i32
          %mul3A_227 = arith.muli %add3A_225, %mul3A_226 : i32
          %add3A_228 = arith.constant 1 : i32
          %add3A_229 = arith.addi %mul3A_227, %add3A_228 : i32
          %mul3A_230 = arith.constant 128 : i32
          %mul3A_231 = arith.muli %add3A_229, %mul3A_230 : i32
          %mul3A_232 = arith.constant 16 : i32
          %mul3A_233 = arith.muli %scan3A_74, %mul3A_232 : i32
          %add3A_234 = arith.addi %mul3A_231, %mul3A_233 : i32
          %get3A_235 = arith.index_cast %add3A_234 : i32 to index
          %get3A_236 = tpu.vector_load %arg8[%get3A_235] {strides = array<i32>} : memref<8192xf32, #tpu.memory_space<vmem>>, vector<16xf32>,
          %mul3A_237 = arith.mulf %get3A_236, %get3A_80 : vector<16xf32>
          %swap3A_238 = arith.index_cast %add3A_234 : i32 to index
          %swap3A_239 = tpu.vector_load %arg8[%swap3A_238] {strides = array<i32>} : memref<8192xf32, #tpu.memory_space<vmem>>, vector<16xf32>,
          tpu.vector_store %arg8[%swap3A_238], %mul3A_237 {strides = array<i32>} : memref<8192xf32, #tpu.memory_space<vmem>>, vector<16xf32>,
          %add3A_240 = arith.constant 4 : i32
          %add3A_241 = arith.addi %add3A_240, %scan3A_32 : i32
          %mul3A_242 = arith.constant 8 : i32
          %mul3A_243 = arith.muli %add3A_241, %mul3A_242 : i32
          %add3A_244 = arith.constant 2 : i32
          %add3A_245 = arith.addi %mul3A_243, %add3A_244 : i32
          %mul3A_246 = arith.constant 128 : i32
          %mul3A_247 = arith.muli %add3A_245, %mul3A_246 : i32
          %mul3A_248 = arith.constant 16 : i32
          %mul3A_249 = arith.muli %scan3A_74, %mul3A_248 : i32
          %add3A_250 = arith.addi %mul3A_247, %mul3A_249 : i32
          %get3A_251 = arith.index_cast %add3A_250 : i32 to index
          %get3A_252 = tpu.vector_load %arg8[%get3A_251] {strides = array<i32>} : memref<8192xf32, #tpu.memory_space<vmem>>, vector<16xf32>,
          %mul3A_253 = arith.mulf %get3A_252, %get3A_80 : vector<16xf32>
          %swap3A_254 = arith.index_cast %add3A_250 : i32 to index
          %swap3A_255 = tpu.vector_load %arg8[%swap3A_254] {strides = array<i32>} : memref<8192xf32, #tpu.memory_space<vmem>>, vector<16xf32>,
          tpu.vector_store %arg8[%swap3A_254], %mul3A_253 {strides = array<i32>} : memref<8192xf32, #tpu.memory_space<vmem>>, vector<16xf32>,
          %add3A_256 = arith.constant 4 : i32
          %add3A_257 = arith.addi %add3A_256, %scan3A_32 : i32
          %mul3A_258 = arith.constant 8 : i32
          %mul3A_259 = arith.muli %add3A_257, %mul3A_258 : i32
          %add3A_260 = arith.constant 3 : i32
          %add3A_261 = arith.addi %mul3A_259, %add3A_260 : i32
          %mul3A_262 = arith.constant 128 : i32
          %mul3A_263 = arith.muli %add3A_261, %mul3A_262 : i32
          %mul3A_264 = arith.constant 16 : i32
          %mul3A_265 = arith.muli %scan3A_74, %mul3A_264 : i32
          %add3A_266 = arith.addi %mul3A_263, %mul3A_265 : i32
          %get3A_267 = arith.index_cast %add3A_266 : i32 to index
          %get3A_268 = tpu.vector_load %arg8[%get3A_267] {strides = array<i32>} : memref<8192xf32, #tpu.memory_space<vmem>>, vector<16xf32>,
          %mul3A_269 = arith.mulf %get3A_268, %get3A_80 : vector<16xf32>
          %swap3A_270 = arith.index_cast %add3A_266 : i32 to index
          %swap3A_271 = tpu.vector_load %arg8[%swap3A_270] {strides = array<i32>} : memref<8192xf32, #tpu.memory_space<vmem>>, vector<16xf32>,
          tpu.vector_store %arg8[%swap3A_270], %mul3A_269 {strides = array<i32>} : memref<8192xf32, #tpu.memory_space<vmem>>, vector<16xf32>,
          %add3A_272 = arith.constant 4 : i32
          %add3A_273 = arith.addi %add3A_272, %scan3A_32 : i32
          %mul3A_274 = arith.constant 8 : i32
          %mul3A_275 = arith.muli %add3A_273, %mul3A_274 : i32
          %add3A_276 = arith.constant 4 : i32
          %add3A_277 = arith.addi %mul3A_275, %add3A_276 : i32
          %mul3A_278 = arith.constant 128 : i32
          %mul3A_279 = arith.muli %add3A_277, %mul3A_278 : i32
          %mul3A_280 = arith.constant 16 : i32
          %mul3A_281 = arith.muli %scan3A_74, %mul3A_280 : i32
          %add3A_282 = arith.addi %mul3A_279, %mul3A_281 : i32
          %get3A_283 = arith.index_cast %add3A_282 : i32 to index
          %get3A_284 = tpu.vector_load %arg8[%get3A_283] {strides = array<i32>} : memref<8192xf32, #tpu.memory_space<vmem>>, vector<16xf32>,
          %mul3A_285 = arith.mulf %get3A_284, %get3A_80 : vector<16xf32>
          %swap3A_286 = arith.index_cast %add3A_282 : i32 to index
          %swap3A_287 = tpu.vector_load %arg8[%swap3A_286] {strides = array<i32>} : memref<8192xf32, #tpu.memory_space<vmem>>, vector<16xf32>,
          tpu.vector_store %arg8[%swap3A_286], %mul3A_285 {strides = array<i32>} : memref<8192xf32, #tpu.memory_space<vmem>>, vector<16xf32>,
          %add3A_288 = arith.constant 4 : i32
          %add3A_289 = arith.addi %add3A_288, %scan3A_32 : i32
          %mul3A_290 = arith.constant 8 : i32
          %mul3A_291 = arith.muli %add3A_289, %mul3A_290 : i32
          %add3A_292 = arith.constant 5 : i32
          %add3A_293 = arith.addi %mul3A_291, %add3A_292 : i32
          %mul3A_294 = arith.constant 128 : i32
          %mul3A_295 = arith.muli %add3A_293, %mul3A_294 : i32
          %mul3A_296 = arith.constant 16 : i32
          %mul3A_297 = arith.muli %scan3A_74, %mul3A_296 : i32
          %add3A_298 = arith.addi %mul3A_295, %mul3A_297 : i32
          %get3A_299 = arith.index_cast %add3A_298 : i32 to index
          %get3A_300 = tpu.vector_load %arg8[%get3A_299] {strides = array<i32>} : memref<8192xf32, #tpu.memory_space<vmem>>, vector<16xf32>,
          %mul3A_301 = arith.mulf %get3A_300, %get3A_80 : vector<16xf32>
          %swap3A_302 = arith.index_cast %add3A_298 : i32 to index
          %swap3A_303 = tpu.vector_load %arg8[%swap3A_302] {strides = array<i32>} : memref<8192xf32, #tpu.memory_space<vmem>>, vector<16xf32>,
          tpu.vector_store %arg8[%swap3A_302], %mul3A_301 {strides = array<i32>} : memref<8192xf32, #tpu.memory_space<vmem>>, vector<16xf32>,
          %add3A_304 = arith.constant 4 : i32
          %add3A_305 = arith.addi %add3A_304, %scan3A_32 : i32
          %mul3A_306 = arith.constant 8 : i32
          %mul3A_307 = arith.muli %add3A_305, %mul3A_306 : i32
          %add3A_308 = arith.constant 6 : i32
          %add3A_309 = arith.addi %mul3A_307, %add3A_308 : i32
          %mul3A_310 = arith.constant 128 : i32
          %mul3A_311 = arith.muli %add3A_309, %mul3A_310 : i32
          %mul3A_312 = arith.constant 16 : i32
          %mul3A_313 = arith.muli %scan3A_74, %mul3A_312 : i32
          %add3A_314 = arith.addi %mul3A_311, %mul3A_313 : i32
          %get3A_315 = arith.index_cast %add3A_314 : i32 to index
          %get3A_316 = tpu.vector_load %arg8[%get3A_315] {strides = array<i32>} : memref<8192xf32, #tpu.memory_space<vmem>>, vector<16xf32>,
          %mul3A_317 = arith.mulf %get3A_316, %get3A_80 : vector<16xf32>
          %swap3A_318 = arith.index_cast %add3A_314 : i32 to index
          %swap3A_319 = tpu.vector_load %arg8[%swap3A_318] {strides = array<i32>} : memref<8192xf32, #tpu.memory_space<vmem>>, vector<16xf32>,
          tpu.vector_store %arg8[%swap3A_318], %mul3A_317 {strides = array<i32>} : memref<8192xf32, #tpu.memory_space<vmem>>, vector<16xf32>,
          %add3A_320 = arith.constant 4 : i32
          %add3A_321 = arith.addi %add3A_320, %scan3A_32 : i32
          %mul3A_322 = arith.constant 8 : i32
          %mul3A_323 = arith.muli %add3A_321, %mul3A_322 : i32
          %add3A_324 = arith.constant 7 : i32
          %add3A_325 = arith.addi %mul3A_323, %add3A_324 : i32
          %mul3A_326 = arith.constant 128 : i32
          %mul3A_327 = arith.muli %add3A_325, %mul3A_326 : i32
          %mul3A_328 = arith.constant 16 : i32
          %mul3A_329 = arith.muli %scan3A_74, %mul3A_328 : i32
          %add3A_330 = arith.addi %mul3A_327, %mul3A_329 : i32
          %get3A_331 = arith.index_cast %add3A_330 : i32 to index
          %get3A_332 = tpu.vector_load %arg8[%get3A_331] {strides = array<i32>} : memref<8192xf32, #tpu.memory_space<vmem>>, vector<16xf32>,
          %mul3A_333 = arith.mulf %get3A_332, %get3A_80 : vector<16xf32>
          %swap3A_334 = arith.index_cast %add3A_330 : i32 to index
          %swap3A_335 = tpu.vector_load %arg8[%swap3A_334] {strides = array<i32>} : memref<8192xf32, #tpu.memory_space<vmem>>, vector<16xf32>,
          tpu.vector_store %arg8[%swap3A_334], %mul3A_333 {strides = array<i32>} : memref<8192xf32, #tpu.memory_space<vmem>>, vector<16xf32>,
        }
        %scan3A_44 = arith.constant 8 : i32
        %add3A_45 = arith.constant 0 : i32
        %add3A_46 = arith.addi %add3A_45, %scan3A_32 : i32
        %mul3A_47 = arith.constant 1024 : i32
        %mul3A_48 = arith.muli %add3A_46, %mul3A_47 : i32
        %mul3A_49 = arith.constant 4096 : i32
        %mul3A_50 = arith.muli %add3A, %mul3A_49 : i32
        %add3A_51 = arith.constant 0 : i32
        %add3A_52 = arith.addi %add3A_51, %mul3A_50 : i32
        %mul3A_53 = arith.constant 1024 : i32
        %mul3A_54 = arith.muli %scan3A_32, %mul3A_53 : i32
        %add3A_55 = arith.addi %add3A_52, %mul3A_54 : i32
        %dma_start3A = tpu.memref_slice %arg8[%mul3A_48] : memref<8192xf32, #tpu.memory_space<vmem>> -> memref<1024xf32, #tpu.memory_space<vmem>>
        %dma_start3A_56 = tpu.memref_slice %arg4[%add3A_55] : memref<262144xf32, #tpu.memory_space<hbm>> -> memref<1024xf32, #tpu.memory_space<hbm>>
        %dma_start3A_57 = tpu.memref_slice %arg4[%add3A_55] : memref<262144xf32, #tpu.memory_space<hbm>> -> memref<1024xf32, #tpu.memory_space<hbm>>
        %dma_start3A_58 = tpu.memref_slice %arg8[%mul3A_48] : memref<8192xf32, #tpu.memory_space<vmem>> -> memref<1024xf32, #tpu.memory_space<vmem>>
        tpu.enqueue_dma source(%dma_start3A_58 : memref<1024xf32, #tpu.memory_space<vmem>>) target(%dma_start3A_57 : memref<1024xf32, #tpu.memory_space<hbm>>) target_semaphore(%arg9 : memref<!tpu.dma_semaphore, #tpu.memory_space<semaphore_mem>>)
        %add3A_59 = arith.constant 4 : i32
        %add3A_60 = arith.addi %add3A_59, %scan3A_32 : i32
        %mul3A_61 = arith.constant 1024 : i32
        %mul3A_62 = arith.muli %add3A_60, %mul3A_61 : i32
        %mul3A_63 = arith.constant 4096 : i32
        %mul3A_64 = arith.muli %add3A, %mul3A_63 : i32
        %add3A_65 = arith.constant 131072 : i32
        %add3A_66 = arith.addi %add3A_65, %mul3A_64 : i32
        %mul3A_67 = arith.constant 1024 : i32
        %mul3A_68 = arith.muli %scan3A_32, %mul3A_67 : i32
        %add3A_69 = arith.addi %add3A_66, %mul3A_68 : i32
        %dma_start3A_70 = tpu.memref_slice %arg8[%mul3A_62] : memref<8192xf32, #tpu.memory_space<vmem>> -> memref<1024xf32, #tpu.memory_space<vmem>>
        %dma_start3A_71 = tpu.memref_slice %arg4[%add3A_69] : memref<262144xf32, #tpu.memory_space<hbm>> -> memref<1024xf32, #tpu.memory_space<hbm>>
        %dma_start3A_72 = tpu.memref_slice %arg4[%add3A_69] : memref<262144xf32, #tpu.memory_space<hbm>> -> memref<1024xf32, #tpu.memory_space<hbm>>
        %dma_start3A_73 = tpu.memref_slice %arg8[%mul3A_62] : memref<8192xf32, #tpu.memory_space<vmem>> -> memref<1024xf32, #tpu.memory_space<vmem>>
        tpu.enqueue_dma source(%dma_start3A_73 : memref<1024xf32, #tpu.memory_space<vmem>>) target(%dma_start3A_72 : memref<1024xf32, #tpu.memory_space<hbm>>) target_semaphore(%arg9 : memref<!tpu.dma_semaphore, #tpu.memory_space<semaphore_mem>>)
      }
      %scan3A_25 = arith.constant 4 : i32
      %scan3A_26 = arith.constant 0 : i32
      %scan3A_27 = arith.constant 0 : i32
      %scan3A_28 = arith.constant 4 : i32
      %scan3A_29 = arith.addi %scan3A_27, %scan3A_28 : i32
      %scan3A_30 = arith.constant 1 : i32
      scf.for %scan3A_32 = %scan3A_27 to %scan3A_29 step %scan3A_30  : i32 {
        %add3A_33 = arith.constant 0 : i32
        %add3A_34 = arith.addi %add3A_33, %scan3A_32 : i32
        %mul3A_35 = arith.constant 1024 : i32
        %mul3A_36 = arith.muli %add3A_34, %mul3A_35 : i32
        %mul3A_37 = arith.constant 4096 : i32
        %mul3A_38 = arith.muli %add3A, %mul3A_37 : i32
        %add3A_39 = arith.constant 0 : i32
        %add3A_40 = arith.addi %add3A_39, %mul3A_38 : i32
        %mul3A_41 = arith.constant 1024 : i32
        %mul3A_42 = arith.muli %scan3A_32, %mul3A_41 : i32
        %add3A_43 = arith.addi %add3A_40, %mul3A_42 : i32
        %dma_wait3A = tpu.memref_slice %arg8[%mul3A_36] : memref<8192xf32, #tpu.memory_space<vmem>> -> memref<1024xf32, #tpu.memory_space<vmem>>
        %dma_wait3A_44 = tpu.memref_slice %arg4[%add3A_43] : memref<262144xf32, #tpu.memory_space<hbm>> -> memref<1024xf32, #tpu.memory_space<hbm>>
        %dma_wait3A_45 = tpu.memref_slice %arg4[%add3A_43] : memref<262144xf32, #tpu.memory_space<hbm>> -> memref<1024xf32, #tpu.memory_space<hbm>>
        %dma_wait3A_46 = tpu.memref_slice %arg8[%mul3A_36] : memref<8192xf32, #tpu.memory_space<vmem>> -> memref<1024xf32, #tpu.memory_space<vmem>>
        tpu.wait_dma2 semaphore(%arg9 : memref<!tpu.dma_semaphore, #tpu.memory_space<semaphore_mem>>) src(%dma_wait3A_46 : memref<1024xf32, #tpu.memory_space<vmem>>) dst(%dma_wait3A_45 : memref<1024xf32, #tpu.memory_space<hbm>>)
        %add3A_47 = arith.constant 4 : i32
        %add3A_48 = arith.addi %add3A_47, %scan3A_32 : i32
        %mul3A_49 = arith.constant 1024 : i32
        %mul3A_50 = arith.muli %add3A_48, %mul3A_49 : i32
        %mul3A_51 = arith.constant 4096 : i32
        %mul3A_52 = arith.muli %add3A, %mul3A_51 : i32
        %add3A_53 = arith.constant 131072 : i32
        %add3A_54 = arith.addi %add3A_53, %mul3A_52 : i32
        %mul3A_55 = arith.constant 1024 : i32
        %mul3A_56 = arith.muli %scan3A_32, %mul3A_55 : i32
        %add3A_57 = arith.addi %add3A_54, %mul3A_56 : i32
        %dma_wait3A_58 = tpu.memref_slice %arg8[%mul3A_50] : memref<8192xf32, #tpu.memory_space<vmem>> -> memref<1024xf32, #tpu.memory_space<vmem>>
        %dma_wait3A_59 = tpu.memref_slice %arg4[%add3A_57] : memref<262144xf32, #tpu.memory_space<hbm>> -> memref<1024xf32, #tpu.memory_space<hbm>>
        %dma_wait3A_60 = tpu.memref_slice %arg4[%add3A_57] : memref<262144xf32, #tpu.memory_space<hbm>> -> memref<1024xf32, #tpu.memory_space<hbm>>
        %dma_wait3A_61 = tpu.memref_slice %arg8[%mul3A_50] : memref<8192xf32, #tpu.memory_space<vmem>> -> memref<1024xf32, #tpu.memory_space<vmem>>
        tpu.wait_dma2 semaphore(%arg9 : memref<!tpu.dma_semaphore, #tpu.memory_space<semaphore_mem>>) src(%dma_wait3A_61 : memref<1024xf32, #tpu.memory_space<vmem>>) dst(%dma_wait3A_60 : memref<1024xf32, #tpu.memory_space<hbm>>)
      }
      %scan3A_31 = arith.constant 4 : i32
      tpu.yield
    }) : () -> ()
    return
  }
}

</mosaic_0001>

<sc_bundles>
// kernel: kernel.3.cloned.1.call-start
scs
__scs_entry_jumppad:
0x0: {  	(pc) =	sbr.rel $0x88, $3  }
0x1: {  	(tag) =	ssettag $0x0;
	lr =	simm.s32 $0x1  }
0x2: {  	[smem:$0x3F9F] =	sst lr;
	_ =	strace $0xD0000000  }
0x3: {  	_ = 	snop  }
0x4: {  	_ = 	snop  }
0x5: {  	_ = 	snop  }
0x6: {  	_ = 	snop  }
0x7: {  	_ = 	snop  }
__scs_overlays_trampoline_lowered:
0x8: {  	[smem:$0x3FAE] =	sst s0  }
0x9: {  	[smem:$0x3FAF] =	sst s1  }
0xa: {  	[smem:$0x3FB0] =	sst s2  }
0xb: {  	[smem:$0x3FB1] =	sst s3  }
0xc: {  	[smem:$0x3FB2] =	sst s4  }
0xd: {  	[smem:$0x3FB3] =	sst s5  }
0xe: {  	[smem:$0x3FB4] =	sst s6  }
0xf: {  	[smem:$0x3FB5] =	sst s7  }
0x10: {  	[smem:$0x3FB6] =	sst s8  }
0x11: {  	[smem:$0x3FB7] =	sst s9;
	s0 =	simm.s32 @!p0 $0x0  }
0x12: {  	s1 =	sld [smem:$0x3F9D];
	s0 =	simm.s32 @p0 $0x1  }
0x13: {  	[smem:$0x3FB8] =	sst s0;
	s0 =	simm.s32 @!p1 $0x0  }
0x14: {  	s2 =	sld [smem:$0x3F9C];
	s0 =	simm.s32 @p1 $0x1  }
0x15: {  	[smem:$0x3FB9] =	sst s0;
	s0 =	simm.s32 @!p2 $0x0  }
0x16: {  	s3 =	sld [smem:$0x3FDB];
	s0 =	simm.s32 @p2 $0x1  }
0x17: {  	s4 =	simm.s32 $0x1BF5;
	[smem:$0x3FBB] =	sst s0  }
0x18: {  	s0 =	sld [smem:$0x3F9E];
	_ =	swait.ge [sflag:s4], $0x0  }
0x19: {  	s7 =	sld [smem:$0x3F9F]  }
0x1a: {  	s8 =	sadd.s32 $0xFFFFE003, lr  }
0x1b: {  	s9 =	sadd.s32 $0xFFFFFEF7, lr;
	s5 =	simm.s32 $0xFFFFFFFF;
	p2 =	slt.u32 s8, $0xFFFFF086  }
0x1c: {  	p1 =	slt.u32 s9, $0xF7A;
	s5 =	simm.s32 @!p2 $0x0  }
0x1d: {  	s5 =	simm.s32 @p1 $0x1;
	p0 =	seq.s32 s7, s2  }
0x1e: {  	s7 =	smul.u32 @!p0 $0xF7A, s2;
	p2 =	seq.s32 @!p0 s5, $0x0  }
0x1f: {  	s9 =	smul.u32 $0xF7A, s1;
	s8 =	simm.s32 @!p0 $0x1BF5;
	p2 =	por !p2, p0  }
0x20: {  	[sflag:s8] =	ssyncset.s32 @!p0 $0xFFFFF086;
	s6 =	sadd.s32 @!p0 s3, s7;
	s7 =	simm.s32 @!p0 $0x108  }
0x21: {  	s3 =	sadd.s32 s3, s9;
	s6 =	sadd.s32 @!p0 $0x88, s6;
	s7 =	simm.s32 @p2 $0x1082  }
0x22: {  	[simem:s7], [sflag:s8] =	dma.local @!p0 [hbm:s6], $0xF7A  }
0x23: {  	s9 =	sor.u32 $0xD0000000, s2;
	s6 =	simm.s32 $0x108;
	_ =	swait.ge @!p0 [sflag:s8], $0x0  }
0x24: {  	s3 =	sadd.s32 $0x88, s3;
	s6 =	simm.s32 @!p1 $0x1082;
	[sflag:s4] =	ssyncset.s32 $0xFFFFF086  }
0x25: {  	[simem:s6], [sflag:s4] =	dma.local [hbm:s3], $0xF7A  }
0x26: {  	[smem:$0x3F9F] =	sst s1;
	(tag) =	ssettag s2;
	_ =	strace s9  }
0x27: {  	s1 =	sld [smem:$0x3FAF]  }
0x28: {  	s2 =	sld [smem:$0x3FB0]  }
0x29: {  	s4 =	sld [smem:$0x3FB2]  }
0x2a: {  	p0 =	seq.s32 s5, $0x0;
	s5 =	sld [smem:$0x3FB3]  }
0x2b: {  	s6 =	sld [smem:$0x3FB4]  }
0x2c: {  	s7 =	sld [smem:$0x3FB5]  }
0x2d: {  	s3 =	simm.s32 $0x108;
	s8 =	sld [smem:$0x3FB6]  }
0x2e: {  	s3 =	simm.s32 @!p0 $0x1082;
	s9 =	sld [smem:$0x3FB7]  }
0x2f: {  	lr =	sadd.s32 s0, s3;
	s0 =	sld [smem:$0x3FAE]  }
0x30: {  	s3 =	sld [smem:$0x3FB1]  }
0x31: {  	[smem:$0x3FBA] =	sst s10  }
0x32: {  	s10 =	sld [smem:$0x3FB8];
	_ =	sdelay $0x3  }
0x33: {  	p0 =	seq.s32 s10, $0x1;
	s10 =	sld [smem:$0x3FBA];
	_ =	sdelay $0x3  }
0x34: {  	[smem:$0x3FBA] =	sst s10  }
0x35: {  	s10 =	sld [smem:$0x3FB9];
	_ =	sdelay $0x3  }
0x36: {  	p1 =	seq.s32 s10, $0x1;
	s10 =	sld [smem:$0x3FBA];
	_ =	sdelay $0x3  }
0x37: {  	[smem:$0x3FBA] =	sst s10  }
0x38: {  	s10 =	sld [smem:$0x3FBB]  }
0x39: {  	_ = 	snop;
	(pc) =	sbr.ind lr, $3  }
0x3a: {  	_ = 	snop  }
0x3b: {  	_ = 	snop  }
0x3c: {  	p2 =	seq.s32 s10, $0x1;
	s10 =	sld [smem:$0x3FBA]  }
0x3d: {  	_ =	shalt  }
0x3e: {  	_ =	shalt  }
0x3f: {  	_ =	shalt  }
0x40: {  	_ =	shalt  }
0x41: {  	_ =	shalt  }
0x42: {  	_ =	shalt  }
0x43: {  	_ =	shalt  }
0x44: {  	_ =	shalt  }
0x45: {  	_ =	shalt  }
0x46: {  	_ =	shalt  }
0x47: {  	_ =	shalt  }
0x48: {  	_ =	shalt  }
0x49: {  	_ =	shalt  }
0x4a: {  	_ =	shalt  }
0x4b: {  	_ =	shalt  }
0x4c: {  	_ =	shalt  }
0x4d: {  	_ =	shalt  }
0x4e: {  	_ =	shalt  }
0x4f: {  	_ =	shalt  }
0x50: {  	_ =	shalt  }
0x51: {  	_ =	shalt  }
0x52: {  	_ =	shalt  }
0x53: {  	_ =	shalt  }
0x54: {  	_ =	shalt  }
0x55: {  	_ =	shalt  }
0x56: {  	_ =	shalt  }
0x57: {  	_ =	shalt  }
0x58: {  	_ =	shalt  }
0x59: {  	_ =	shalt  }
0x5a: {  	_ =	shalt  }
0x5b: {  	_ =	shalt  }
0x5c: {  	_ =	shalt  }
0x5d: {  	_ =	shalt  }
0x5e: {  	_ =	shalt  }
0x5f: {  	_ =	shalt  }
0x60: {  	_ =	shalt  }
0x61: {  	_ =	shalt  }
0x62: {  	_ =	shalt  }
0x63: {  	_ =	shalt  }
0x64: {  	_ =	shalt  }
0x65: {  	_ =	shalt  }
0x66: {  	_ =	shalt  }
0x67: {  	_ =	shalt  }
0x68: {  	_ =	shalt  }
0x69: {  	_ =	shalt  }
0x6a: {  	_ =	shalt  }
0x6b: {  	_ =	shalt  }
0x6c: {  	_ =	shalt  }
0x6d: {  	_ =	shalt  }
0x6e: {  	_ =	shalt  }
0x6f: {  	_ =	shalt  }
0x70: {  	_ =	shalt  }
0x71: {  	_ =	shalt  }
0x72: {  	_ =	shalt  }
0x73: {  	_ =	shalt  }
0x74: {  	_ =	shalt  }
0x75: {  	_ =	shalt  }
0x76: {  	_ =	shalt  }
0x77: {  	_ =	shalt  }
0x78: {  	_ =	shalt  }
0x79: {  	_ =	shalt  }
0x7a: {  	_ =	shalt  }
0x7b: {  	_ =	shalt  }
0x7c: {  	_ =	shalt  }
0x7d: {  	_ =	shalt  }
0x7e: {  	_ =	shalt  }
0x7f: {  	_ =	shalt  }
0x80: {  	_ =	shalt  }
0x81: {  	_ =	shalt  }
0x82: {  	_ =	shalt  }
0x83: {  	_ =	shalt  }
0x84: {  	_ =	shalt  }
0x85: {  	_ =	shalt  }
0x86: {  	_ =	shalt  }
0x87: {  	_ =	shalt  }
.Lfunc_end0:
.L_simem_size_0:
called_computation_lowered:
.L_overlay_start_0:
0x88: {  	s2 =	sld [smem:$0x3FD9]  }
0x89: {  	s3 =	sld [smem:$0x3FFE];
	_ =	sdelay $0x1  }
0x8a: {  	s1 =	srdreg.scid  }
0x8b: {  	s0 =	sand.u32 $0x1, s1  }
0x8c: {  	s17 =	sshll.u32 s0, $0xA;
	s2 =	sadd.s32 s3, s2  }
0x8d: {  	s2 =	sadd.s32 s2, s17  }
0x8e: {  	[smem:$0x3FC6] =	sst s2  }
0x8f: {  	_ = 	snop  }
0x90: {  	s2 =	sld [smem:$0x3FC8]  }
0x91: {  	s18 =	sld [smem:$0x3FD0];
	(tm) =	ssettm $0x1  }
0x92: {  	s4 =	sld [smem:$0x3FFB];
	_ =	sdelay $0x3  }
0x93: {  	_ =	strace s4  }
0x94: {  	s4 =	sld [smem:$0x3FFC];
	_ =	sdelay $0x3  }
0x95: {  	_ =	strace s4  }
0x96: {  	s4 =	sld [smem:$0x3FFD];
	_ =	sdelay $0x3  }
0x97: {  	_ =	strace s4  }
0x98: {  	_ =	strace $0x8FFFFFFF  }
0x99: {  	s19 =	sld [smem:$0x3FDB];
	_ =	sdelay $0x1  }
0x9a: {  	s5 =	simm.s32 $_scs_section_size  }
0x9b: {  	s6 =	simm.s32 $_size__tile_overlayer_lowered;
	s7 =	simm.s32 $_tile_overlayer_lowered  }
0x9c: {  	s22 =	simm.s32 $0x1BFF;
	s21 =	sshll.u32 s7, $0x1;
	s4 =	sadd.s32 s5, s19  }
0x9d: {  	s8 =	simm.s32 $0x0;
	s20 =	sshll.u32 s6, $0x1;
	s6 =	sadd.s32 s21, s4  }
0x9e: {  	[timem:s8], [sflag:s22] =	dma.local [hbm:s6], s20  }
0x9f: {  	_ =	swait.ge [sflag:s22], s20  }
0xa0: {  	s5 =	ssub.s32 $0x0, s20;
	[sflag:s22] =	ssyncset.done $0x0  }
0xa1: {  	[sflag:s22] =	ssyncadd.s32 s5;
	_ =	sdelay $0x1  }
0xa2: {  	s23 =	simm.s32 $0x1B8B  }
0xa3: {  	_ =	swait.ge [sflag:s23], $0x1  }
0xa4: {  	[sflag:s23] =	ssyncset.done $0x0  }
0xa5: {  	s25 =	simm.s32 $0x1B8E;
	s24 =	sld [smem:$0x3FFE];
	[sflag:s23] =	ssyncadd.s32 $0xFFFFFFFF  }
0xa6: {  	s26 =	simm.s32 $execute0_lowered;
	[smem:$0x3FD2] =	sst s25  }
0xa7: {  	s6 =	sshll.u32 s26, $0x1;
	_ =	strace $0x80000046;
	[dreg:$0x1] =	wrdreg $0xFFFFFFFF  }
0xa8: {  	s28 =	simm.s32 $_size_execute0_lowered;
	s4 =	sadd.s32 s4, s6;
	[dreg:$0x0] =	wrdreg $0x0  }
0xa9: {  	s6 =	sshll.u32 s28, $0x1;
	[dreg:$0x2] =	wrdreg s4  }
0xaa: {  	[dreg:$0x3] =	wrdreg s6  }
0xab: {  	[dreg:$0x4] =	wrdreg $0xC0  }
0xac: {  	_ =	task [dreg:s8], $0x5FFFF  }
0xad: {  	[dreg:$0x1] =	wrdreg $0xFFFFFFFF  }
0xae: {  	[dreg:$0x0] =	wrdreg $0x60  }
0xaf: {  	[dreg:$0x2] =	wrdreg s24  }
0xb0: {  	[dreg:$0x3] =	wrdreg s2  }
0xb1: {  	[dreg:$0x4] =	wrdreg s18  }
0xb2: {  	[dreg:$0x5] =	wrdreg $0x9  }
0xb3: {  	_ =	task.clear_ibuf [dreg:s8], $0x6FFFF;
	_ =	strace $0x90000046  }
0xb4: {  	s29 =	simm.s32 $0x9;
	_ =	strace $0x80000048  }
0xb5: {  	_ =	swait.ge [sflag:s29], $0x1  }
0xb6: {  	[sflag:s29] =	ssyncadd.s32 $0xFFFFFFFF  }
0xb7: {  	_ =	strace $0x90000048  }
0xb8: {  	_ =	sfence  }
0xb9: {  	s30 =	sld [smem:$0x0];
	_ =	sdelay $0x2  }
0xba: {  	s31 =	sshll.u32 s1, $0xD;
	s1 =	sshrl.u32 s1, $0x2  }
0xbb: {  	s3 =	sand.u32 $0x4000, s31;
	s1 =	sadd.s32 s1, s30  }
0xbc: {  	s0 =	sor.u32 s3, s0;
	s1 =	sshll.u32 s1, $0x11  }
0xbd: {  	s0 =	sor.u32 s1, s0  }
0xbe: {  	s0 =	sadd.s32 $0x8F2B, s0  }
0xbf: {  	[sflag:s0] =	ssyncadd.remote.s32 $0x1  }
0xc0: {  	_ =	sfence.sel $0xFFFF  }
0xc1: {  	[dreg:$0x0] =	wrdreg $0xFFFFFFFF;
	(pc) =	sbr.abs _section_cstart, $3  }
0xc2: {  	[dreg:$0x1] =	wrdreg $0xFFFFFFFF  }
0xc3: {  	_ =	task.clear_ibuf [dreg:s8], $0x2FFFF;
	_ =	strace $0x9FFFFFFF  }
0xc4: {  	(tm) =	ssettm $0x7FFFFFFF  }
0xc5: {  	_ =	shalt  }
tec
execute0_lowered:
.L_overlay_start_1:
0x0: {  	(tag) =	ssettag $0x1  }
0x1: {  	s0 =	rddreg [dreg:$0x0]  }
0x2: {  	s2 =	rddreg [dreg:$0x1]  }
0x3: {  	s1 =	srdreg.scid;
	s4 =	stileid.u32  }
0x4: {  	s3 =	rddreg [dreg:$0x2];
	s28 =	simm.s32 $0x1;
	s29 =	simm.s32 $0x80  }
0x5: {  	s30 =	simm.s32 $0x0;
	s1 =	sand.u32 $0x1, s1;
	s4 =	sshll.u32 s4, $0x1  }
0x6: {  	s5 =	sor.u32 s1, s4;
	s4 =	simm.s32 $0x0;
	s1 =	ssub.s32 $0x2, s1  }
0x7: {  	s6 =	sshll.u32 s5, $0x6;
	[smem:$0x7FF] =	sst s4;
	s23 =	sshrl.u32 s1, $0x1  }
0x8: {  	s0 =	sadd.s32 s6, s0;
	_ =	strace $0x80000047;
	s1 =	ssub.s32 s1, s23  }
0x9: {  	s6 =	sshll.u32 s5, $0xC;
	s24 =	sadd.s32 $0x400, s0;
	s1 =	smax.u32 s1, $0x1  }
0xa: {  	s25 =	sadd.s32 $0xC00, s0;
	s26 =	sadd.s32 $0x1400, s0;
	s31 =	sadd.s32 $0x1C00, s0  }
0xb: {  	s11 =	sadd.s32 $0x2400, s0;
	s12 =	sadd.s32 $0x2C00, s0;
	s13 =	sadd.s32 $0x3400, s0  }
0xc: {  	s14 =	sadd.s32 $0x3C00, s0;
	s15 =	sadd.s32 $0x4400, s0;
	[dreg:$0x4] =	wrdreg s24  }
0xd: {  	s16 =	sadd.s32 $0x4C00, s0;
	s17 =	sadd.s32 $0x5400, s0;
	[dreg:$0x5] =	wrdreg s1  }
0xe: {  	s18 =	sadd.s32 $0x5C00, s0;
	s19 =	sadd.s32 $0x6400, s0;
	[dreg:$0x6] =	wrdreg s25  }
0xf: {  	s20 =	sadd.s32 $0x6C00, s0;
	s21 =	sadd.s32 $0x7400, s0;
	[dreg:$0x7] =	wrdreg s26  }
0x10: {  	s22 =	sadd.s32 $0x7C00, s0;
	s23 =	sadd.s32 $0x8400, s0;
	[dreg:$0x8] =	wrdreg s31  }
0x11: {  	v0 =	vimm.s32 $0x0;
	s24 =	sadd.s32 $0x8C00, s0;
	s25 =	sadd.s32 $0x9400, s0;
	s26 =	sadd.s32 $0x9C00, s0  }
.LBB2_1:
0x12: {  	s0 =	rddreg [dreg:$0x4]  }
0x13: {  	[tilespmem:s4], [sflag:$0x1] =	stream.linear.gather [hbm4b:s0+s4], $0x200, $0x38;
	[tilespmem:$0x6A00] =	vst v63  }
0x14: {  	s8 =	rddreg [dreg:$0x6];
	s1 =	simm.s32 $0x200  }
0x15: {  	[tilespmem:s1], [sflag:$0x1] =	stream.linear.gather [hbm4b:s8+s4], $0x200, $0x38;
	[tilespmem:$0x6A00] =	vst v63  }
0x16: {  	s9 =	rddreg [dreg:$0x7];
	s10 =	simm.s32 $0x400  }
0x17: {  	[tilespmem:s10], [sflag:$0x1] =	stream.linear.gather [hbm4b:s9+s4], $0x200, $0x38;
	[tilespmem:$0x6A00] =	vst v63  }
0x18: {  	s5 =	rddreg [dreg:$0x8];
	s7 =	simm.s32 $0x600  }
0x19: {  	[tilespmem:s7], [sflag:$0x1] =	stream.linear.gather [hbm4b:s5+s4], $0x200, $0x38;
	[tilespmem:$0x6A00] =	vst v63  }
0x1a: {  	s8 =	simm.s32 $0x800  }
0x1b: {  	[tilespmem:s8], [sflag:$0x1] =	stream.linear.gather [hbm4b:s11+s4], $0x200, $0x38;
	[tilespmem:$0x6A00] =	vst v63  }
0x1c: {  	s9 =	simm.s32 $0xA00  }
0x1d: {  	[tilespmem:s9], [sflag:$0x1] =	stream.linear.gather [hbm4b:s12+s4], $0x200, $0x38;
	[tilespmem:$0x6A00] =	vst v63  }
0x1e: {  	s10 =	simm.s32 $0xC00  }
0x1f: {  	[tilespmem:s10], [sflag:$0x1] =	stream.linear.gather [hbm4b:s13+s4], $0x200, $0x38;
	[tilespmem:$0x6A00] =	vst v63  }
0x20: {  	s1 =	simm.s32 $0xE00  }
0x21: {  	[tilespmem:s1], [sflag:$0x1] =	stream.linear.gather [hbm4b:s14+s4], $0x200, $0x38;
	[tilespmem:$0x6A00] =	vst v63  }
0x22: {  	s5 =	simm.s32 $0x1000  }
0x23: {  	[tilespmem:s5], [sflag:$0x1] =	stream.linear.gather [hbm4b:s15+s4], $0x200, $0x38;
	[tilespmem:$0x6A00] =	vst v63  }
0x24: {  	s7 =	simm.s32 $0x1200  }
0x25: {  	[tilespmem:s7], [sflag:$0x1] =	stream.linear.gather [hbm4b:s16+s4], $0x200, $0x38;
	[tilespmem:$0x6A00] =	vst v63  }
0x26: {  	s8 =	simm.s32 $0x1400  }
0x27: {  	[tilespmem:s8], [sflag:$0x1] =	stream.linear.gather [hbm4b:s17+s4], $0x200, $0x38;
	[tilespmem:$0x6A00] =	vst v63  }
0x28: {  	s9 =	simm.s32 $0x1600  }
0x29: {  	[tilespmem:s9], [sflag:$0x1] =	stream.linear.gather [hbm4b:s18+s4], $0x200, $0x38;
	[tilespmem:$0x6A00] =	vst v63  }
0x2a: {  	s10 =	simm.s32 $0x1800  }
0x2b: {  	[tilespmem:s10], [sflag:$0x1] =	stream.linear.gather [hbm4b:s19+s4], $0x200, $0x38;
	[tilespmem:$0x6A00] =	vst v63  }
0x2c: {  	s1 =	simm.s32 $0x1A00  }
0x2d: {  	[tilespmem:s1], [sflag:$0x1] =	stream.linear.gather [hbm4b:s20+s4], $0x200, $0x38;
	[tilespmem:$0x6A00] =	vst v63  }
0x2e: {  	s5 =	simm.s32 $0x1C00  }
0x2f: {  	[tilespmem:s5], [sflag:$0x1] =	stream.linear.gather [hbm4b:s21+s4], $0x200, $0x38;
	[tilespmem:$0x6A00] =	vst v63  }
0x30: {  	s7 =	simm.s32 $0x1E00  }
0x31: {  	[tilespmem:s7], [sflag:$0x1] =	stream.linear.gather [hbm4b:s22+s4], $0x200, $0x38;
	[tilespmem:$0x6A00] =	vst v63  }
0x32: {  	s8 =	simm.s32 $0x2000  }
0x33: {  	[tilespmem:s8], [sflag:$0x1] =	stream.linear.gather [hbm4b:s23+s4], $0x200, $0x38;
	[tilespmem:$0x6A00] =	vst v63  }
0x34: {  	s9 =	simm.s32 $0x2200  }
0x35: {  	[tilespmem:s9], [sflag:$0x1] =	stream.linear.gather [hbm4b:s24+s4], $0x200, $0x38;
	[tilespmem:$0x6A00] =	vst v63  }
0x36: {  	s10 =	simm.s32 $0x2400  }
0x37: {  	[tilespmem:s10], [sflag:$0x1] =	stream.linear.gather [hbm4b:s25+s4], $0x200, $0x38;
	[tilespmem:$0x6A00] =	vst v63  }
0x38: {  	s31 =	simm.s32 $0x2600  }
0x39: {  	[tilespmem:s31], [sflag:$0x1] =	stream.linear.gather [hbm4b:s26+s4], $0x200, $0x38;
	[tilespmem:$0x6A00] =	vst v63  }
0x3a: {  	_ =	swait.ge [sflag:s28], $0x200  }
0x3b: {  	[sflag:s28] =	ssyncset.done $0x0  }
0x3c: {  	[sflag:s28] =	ssyncadd.s32 $0xFFFFFE00  }
0x3d: {  	_ =	swait.ge [sflag:s28], $0x200  }
0x3e: {  	[sflag:s28] =	ssyncset.done $0x0  }
0x3f: {  	[sflag:s28] =	ssyncadd.s32 $0xFFFFFE00  }
0x40: {  	_ =	swait.ge [sflag:s28], $0x200  }
0x41: {  	[sflag:s28] =	ssyncset.done $0x0  }
0x42: {  	[sflag:s28] =	ssyncadd.s32 $0xFFFFFE00  }
0x43: {  	_ =	swait.ge [sflag:s28], $0x200  }
0x44: {  	[sflag:s28] =	ssyncset.done $0x0  }
0x45: {  	[sflag:s28] =	ssyncadd.s32 $0xFFFFFE00  }
0x46: {  	_ =	swait.ge [sflag:s28], $0x200  }
0x47: {  	[sflag:s28] =	ssyncset.done $0x0  }
0x48: {  	[sflag:s28] =	ssyncadd.s32 $0xFFFFFE00  }
0x49: {  	_ =	swait.ge [sflag:s28], $0x200  }
0x4a: {  	[sflag:s28] =	ssyncset.done $0x0  }
0x4b: {  	[sflag:s28] =	ssyncadd.s32 $0xFFFFFE00  }
0x4c: {  	_ =	swait.ge [sflag:s28], $0x200  }
0x4d: {  	[sflag:s28] =	ssyncset.done $0x0  }
0x4e: {  	[sflag:s28] =	ssyncadd.s32 $0xFFFFFE00  }
0x4f: {  	_ =	swait.ge [sflag:s28], $0x200  }
0x50: {  	[sflag:s28] =	ssyncset.done $0x0  }
0x51: {  	[sflag:s28] =	ssyncadd.s32 $0xFFFFFE00  }
0x52: {  	_ =	swait.ge [sflag:s28], $0x200  }
0x53: {  	[sflag:s28] =	ssyncset.done $0x0  }
0x54: {  	[sflag:s28] =	ssyncadd.s32 $0xFFFFFE00  }
0x55: {  	_ =	swait.ge [sflag:s28], $0x200  }
0x56: {  	[sflag:s28] =	ssyncset.done $0x0  }
0x57: {  	[sflag:s28] =	ssyncadd.s32 $0xFFFFFE00  }
0x58: {  	_ =	swait.ge [sflag:s28], $0x200  }
0x59: {  	[sflag:s28] =	ssyncset.done $0x0  }
0x5a: {  	[sflag:s28] =	ssyncadd.s32 $0xFFFFFE00  }
0x5b: {  	_ =	swait.ge [sflag:s28], $0x200  }
0x5c: {  	[sflag:s28] =	ssyncset.done $0x0  }
0x5d: {  	[sflag:s28] =	ssyncadd.s32 $0xFFFFFE00  }
0x5e: {  	_ =	swait.ge [sflag:s28], $0x200  }
0x5f: {  	[sflag:s28] =	ssyncset.done $0x0  }
0x60: {  	[sflag:s28] =	ssyncadd.s32 $0xFFFFFE00  }
0x61: {  	_ =	swait.ge [sflag:s28], $0x200  }
0x62: {  	[sflag:s28] =	ssyncset.done $0x0  }
0x63: {  	[sflag:s28] =	ssyncadd.s32 $0xFFFFFE00  }
0x64: {  	_ =	swait.ge [sflag:s28], $0x200  }
0x65: {  	[sflag:s28] =	ssyncset.done $0x0  }
0x66: {  	[sflag:s28] =	ssyncadd.s32 $0xFFFFFE00  }
0x67: {  	_ =	swait.ge [sflag:s28], $0x200  }
0x68: {  	[sflag:s28] =	ssyncset.done $0x0  }
0x69: {  	[sflag:s28] =	ssyncadd.s32 $0xFFFFFE00  }
0x6a: {  	_ =	swait.ge [sflag:s28], $0x200  }
0x6b: {  	[sflag:s28] =	ssyncset.done $0x0  }
0x6c: {  	[sflag:s28] =	ssyncadd.s32 $0xFFFFFE00  }
0x6d: {  	_ =	swait.ge [sflag:s28], $0x200  }
0x6e: {  	[sflag:s28] =	ssyncset.done $0x0  }
0x6f: {  	[sflag:s28] =	ssyncadd.s32 $0xFFFFFE00  }
0x70: {  	_ =	swait.ge [sflag:s28], $0x200  }
0x71: {  	[sflag:s28] =	ssyncset.done $0x0  }
0x72: {  	[sflag:s28] =	ssyncadd.s32 $0xFFFFFE00  }
0x73: {  	_ =	swait.ge [sflag:s28], $0x200  }
0x74: {  	s0 =	simm.s32 $0x3A00;
	[sflag:s28] =	ssyncset.done $0x0  }
0x75: {  	s1 =	simm.s32 $0x2800;
	s5 =	simm.s32 $0x0;
	[sflag:s28] =	ssyncadd.s32 $0xFFFFFE00  }
.LBB2_2:
0x76: {  	v3 =	vmov s31;
	_ =	sdelay $0x3  }
0x77: {  	s7 =	simm.s32 $0x0  }
0x78: {  	v4 =	vld.idx.msk [tilespmem:v3+s7+$0xFFFFDC00 ss:$0x1], $0xffff  }
0x79: {  	v5 =	vld.idx.msk [tilespmem:v3+s7+$0xFFFFDA00 ss:$0x1], $0xffff;
	_ =	sdelay $0x1  }
0x7a: {  	v6 =	vld.idx.msk [tilespmem:v3+s7+$0xFFFFDE00 ss:$0x1], $0xffff;
	_ =	sdelay $0x1  }
0x7b: {  	v7 =	vld.idx.msk [tilespmem:v3+s7+$0xFFFFE000 ss:$0x1], $0xffff  }
0x7c: {  	v10 =	vld.idx.msk [tilespmem:v3+s7+$0xFFFFE200 ss:$0x1], $0xffff;
	v8 =	vand.u32 $0x7FFFFFFF, v5;
	v9 =	vand.u32 $0x7FFFFFFF, v4  }
0x7d: {  	v8 =	vadd.f32 v9, v8  }
0x7e: {  	v9 =	vand.u32 $0x7FFFFFFF, v6  }
0x7f: {  	v2 =	vmov s1;
	v11 =	vld.idx.msk [tilespmem:v3+s7+$0xFFFFE400 ss:$0x1], $0xffff;
	vm0 =	vgt.f32 v4, $0.0e+00;
	v8 =	vadd.f32 v9, v8  }
0x80: {  	vm1 =	vgt.f32 v5, $0.0e+00;
	v4 =	vand.u32 $0x7FFFFFFF, v7;
	vm10 =	vgt.f32 v6, $0.0e+00  }
0x81: {  	v12 =	vld.idx.msk [tilespmem:v3+s7+$0xFFFFE600 ss:$0x1], $0xffff;
	vm11 =	vgt.f32 v7, $0.0e+00;
	vm12 =	vgt.f32 v10, $0.0e+00;
	v4 =	vadd.f32 v4, v8  }
0x82: {  	v7 =	vld.idx.msk [tilespmem:v3+s7+$0xFFFFE800 ss:$0x1], $0xffff;
	v5 =	vsel vm1, $0x1, v0;
	v6 =	vand.u32 $0x7FFFFFFF, v10;
	v9 =	vsel vm0, $0x2, v0  }
0x83: {  	v5 =	vor.u32 v5, v9;
	v8 =	vsel vm10, $0x4, v0;
	v4 =	vadd.f32 v6, v4  }
0x84: {  	v10 =	vld.idx.msk [tilespmem:v3+s7+$0xFFFFEC00 ss:$0x1], $0xffff;
	v5 =	vor.u32 v8, v5;
	v8 =	vand.u32 $0x7FFFFFFF, v11;
	v6 =	vsel vm11, $0x8, v0  }
0x85: {  	v1 =	vmov s0;
	v5 =	vor.u32 v6, v5;
	v6 =	vld.idx.msk [tilespmem:v3+s7+$0xFFFFEA00 ss:$0x1], $0xffff;
	v4 =	vadd.f32 v8, v4  }
0x86: {  	vm13 =	vgt.f32 v11, $0.0e+00;
	vm14 =	vgt.f32 v12, $0.0e+00;
	v9 =	vand.u32 $0x7FFFFFFF, v12  }
0x87: {  	vm15 =	vgt.f32 v7, $0.0e+00;
	v8 =	vsel vm12, $0x10, v0;
	v4 =	vadd.f32 v9, v4  }
0x88: {  	v59 =	vld.idx.msk [tilespmem:v3+s7+$0xFFFFF400 ss:$0x1], $0xffff;
	v5 =	vor.u32 v8, v5;
	v8 =	vsel vm13, $0x20, v0;
	v9 =	vand.u32 $0x7FFFFFFF, v7  }
0x89: {  	v11 =	vsel vm14, $0x40, v0;
	v5 =	vor.u32 v8, v5;
	v8 =	vld.idx.msk [tilespmem:v3+s7+$0xFFFFEE00 ss:$0x1], $0xffff;
	v7 =	vadd.f32 v9, v4  }
0x8a: {  	vm5 =	vgt.f32 v10, $0.0e+00;
	v4 =	vor.u32 v11, v5;
	v11 =	vand.u32 $0x7FFFFFFF, v6  }
0x8b: {  	v9 =	vld.idx.msk [tilespmem:v3+s7+$0xFFFFF000 ss:$0x1], $0xffff;
	v5 =	vsel vm15, $0x80, v0;
	vm4 =	vgt.f32 v6, $0.0e+00;
	v6 =	vadd.f32 v11, v7  }
0x8c: {  	v10 =	vand.u32 $0x7FFFFFFF, v10;
	v5 =	vadd.s32 v5, v4;
	v7 =	vld.idx.msk [tilespmem:v3+s7+$0xFFFFF200 ss:$0x1], $0xffff;
	v11 =	vsel vm4, $0x100, v0  }
0x8d: {  	vm9 =	vgt.f32 v59, $0.0e+00;
	v5 =	vadd.s32 v11, v5;
	v6 =	vadd.f32 v10, v6  }
0x8e: {  	vm6 =	vgt.f32 v8, $0.0e+00;
	v8 =	vand.u32 $0x7FFFFFFF, v8;
	v10 =	vsel vm5, $0x200, v0  }
0x8f: {  	v13 =	vld.idx.msk [tilespmem:v3+s7+$0xFFFFF600 ss:$0x1], $0xffff;
	v11 =	vsel vm6, $0x400, v0;
	v5 =	vadd.s32 v10, v5;
	v6 =	vadd.f32 v8, v6  }
0x90: {  	vm7 =	vgt.f32 v9, $0.0e+00;
	v9 =	vand.u32 $0x7FFFFFFF, v9;
	v8 =	vld.idx.msk [tilespmem:v3+s7+$0xFFFFF800 ss:$0x1], $0xffff;
	v5 =	vadd.s32 v11, v5  }
0x91: {  	v10 =	vsel vm7, $0x800, v0;
	v11 =	vld.idx.msk [tilespmem:v3+s7+$0xFFFFFC00 ss:$0x1], $0xffff;
	vm8 =	vgt.f32 v7, $0.0e+00;
	v6 =	vadd.f32 v9, v6  }
0x92: {  	v5 =	vadd.s32 v10, v5;
	v7 =	vand.u32 $0x7FFFFFFF, v7;
	v9 =	vld.idx.msk [tilespmem:v3+s7+$0xFFFFFA00 ss:$0x1], $0xffff;
	v10 =	vsel vm8, $0x1000, v0  }
0x93: {  	v5 =	vadd.s32 v10, v5;
	v10 =	vsel vm9, $0x2000, v0;
	v6 =	vadd.f32 v7, v6  }
0x94: {  	vm10 =	vgt.f32 v13, $0.0e+00;
	v7 =	vadd.s32 v10, v5;
	v5 =	vand.u32 $0x7FFFFFFF, v59  }
0x95: {  	v13 =	vand.u32 $0x7FFFFFFF, v13;
	v60 =	vsel vm10, $0x4000, v0;
	v10 =	vld.idx.msk [tilespmem:v3+s7+$0xFFFFFE00 ss:$0x1], $0xffff;
	v6 =	vadd.f32 v5, v6  }
0x96: {  	vm11 =	vgt.f32 v8, $0.0e+00;
	v7 =	vadd.s32 v60, v7;
	vm13 =	vgt.f32 v11, $0.0e+00;
	v5 =	vld.idx.msk [tilespmem:v3+s7+$0x0 ss:$0x1], $0xffff  }
0x97: {  	v61 =	vsel vm11, $0x8000, v0;
	vm12 =	vgt.f32 v9, $0.0e+00;
	v6 =	vadd.f32 v13, v6  }
0x98: {  	v8 =	vand.u32 $0x7FFFFFFF, v8;
	v7 =	vadd.s32 v61, v7;
	v62 =	vsel vm12, $0x10000, v0  }
0x99: {  	v63 =	vsel vm13, $0x20000, v0;
	v7 =	vadd.s32 v62, v7;
	v6 =	vadd.f32 v8, v6  }
0x9a: {  	vm14 =	vgt.f32 v10, $0.0e+00;
	v7 =	vadd.s32 v63, v7;
	v8 =	vand.u32 $0x7FFFFFFF, v9  }
0x9b: {  	v9 =	vsel vm14, $0x40000, v0;
	vm15 =	vgt.f32 v5, $0.0e+00;
	v8 =	vadd.f32 v8, v6  }
0x9c: {  	v7 =	vadd.s32 v9, v7;
	v9 =	vand.u32 $0x7FFFFFFF, v11;
	v11 =	vsel vm15, $0x80000, v0  }
0x9d: {  	s8 =	simm.s32 $0x40;
	v6 =	vand.u32 $0x7FFFFFFF, v10;
	v7 =	vadd.s32 v11, v7;
	v8 =	vadd.f32 v9, v8  }
.LBB2_3:
0x9e: {  	p0 =	seq.s32 s8, $0x1C0;
	s9 =	smov.u32 s8;
	s8 =	sadd.s32 $0x40, s8  }
0x9f: {  	v6 =	vadd.f32 v6, v8  }
0xa0: {  	v5 =	vand.u32 $0x7FFFFFFF, v5  }
0xa1: {  	v5 =	vadd.f32 v5, v6;
	_ =	sdelay $0x1  }
0xa2: {  	v6 =	vshll.u32 v7, $0x3;
	v5 =	vmul.f32 $5.000000070e-02, v5  }
0xa3: {  	v6 =	vand.u32 $0x7FFFFC00, v6  }
0xa4: {  	s9 =	sshra.s32 s9, $0x2;
	v4 =	vor.u32 v4, v6;
	[tilespmem:v2+s7+$0x0 ss:$0x1] =	vst.idx.msk $0xffff, v5  }
0xa5: {  	v5 =	vor.u32 $0x80, v4;
	[tilespmem:v1+s7+$0xFFFFF000 ss:$0x1] =	vst.idx.msk $0xffff, v4  }
0xa6: {  	[tilespmem:v1+s7+$0xFFFFF080 ss:$0x1] =	vst.idx.msk $0xffff, v5;
	v5 =	vor.u32 $0x100, v4  }
0xa7: {  	[tilespmem:v1+s7+$0xFFFFF100 ss:$0x1] =	vst.idx.msk $0xffff, v5;
	v5 =	vor.u32 $0x180, v4  }
0xa8: {  	[tilespmem:v1+s7+$0xFFFFF180 ss:$0x1] =	vst.idx.msk $0xffff, v5;
	v5 =	vor.u32 $0x200, v4  }
0xa9: {  	[tilespmem:v1+s7+$0xFFFFF200 ss:$0x1] =	vst.idx.msk $0xffff, v5;
	v5 =	vor.u32 $0x280, v4  }
0xaa: {  	[tilespmem:v1+s7+$0xFFFFF280 ss:$0x1] =	vst.idx.msk $0xffff, v5;
	v5 =	vor.u32 $0x300, v4  }
0xab: {  	[tilespmem:v1+s7+$0xFFFFF300 ss:$0x1] =	vst.idx.msk $0xffff, v5;
	v5 =	vor.u32 $0x380, v4  }
0xac: {  	[tilespmem:v1+s7+$0xFFFFF380 ss:$0x1] =	vst.idx.msk $0xffff, v5;
	v5 =	vadd.s32 $0x800000, v4  }
0xad: {  	[tilespmem:v1+s7+$0x0 ss:$0x1] =	vst.idx.msk $0xffff, v5;
	v5 =	vadd.s32 $0x800080, v4  }
0xae: {  	[tilespmem:v1+s7+$0x80 ss:$0x1] =	vst.idx.msk $0xffff, v5;
	v5 =	vadd.s32 $0x800100, v4  }
0xaf: {  	[tilespmem:v1+s7+$0x100 ss:$0x1] =	vst.idx.msk $0xffff, v5;
	v5 =	vadd.s32 $0x800180, v4  }
0xb0: {  	[tilespmem:v1+s7+$0x180 ss:$0x1] =	vst.idx.msk $0xffff, v5;
	v5 =	vadd.s32 $0x800200, v4  }
0xb1: {  	[tilespmem:v1+s7+$0x200 ss:$0x1] =	vst.idx.msk $0xffff, v5;
	v5 =	vadd.s32 $0x800280, v4  }
0xb2: {  	[tilespmem:v1+s7+$0x280 ss:$0x1] =	vst.idx.msk $0xffff, v5;
	v5 =	vadd.s32 $0x800300, v4  }
0xb3: {  	v4 =	vadd.s32 $0x800380, v4;
	[tilespmem:v1+s7+$0x300 ss:$0x1] =	vst.idx.msk $0xffff, v5  }
0xb4: {  	[tilespmem:v1+s7+$0x380 ss:$0x1] =	vst.idx.msk $0xffff, v4;
	s7 =	smov.u32 s9  }
0xb5: {  	v4 =	vld.idx.msk [tilespmem:v3+s7+$0xFFFFDC00 ss:$0x1], $0xffff  }
0xb6: {  	v5 =	vld.idx.msk [tilespmem:v3+s7+$0xFFFFDA00 ss:$0x1], $0xffff;
	_ =	sdelay $0x1  }
0xb7: {  	v6 =	vld.idx.msk [tilespmem:v3+s7+$0xFFFFDE00 ss:$0x1], $0xffff;
	_ =	sdelay $0x1  }
0xb8: {  	v7 =	vld.idx.msk [tilespmem:v3+s7+$0xFFFFE000 ss:$0x1], $0xffff  }
0xb9: {  	vm0 =	vgt.f32 v4, $0.0e+00  }
0xba: {  	v4 =	vand.u32 $0x7FFFFFFF, v4;
	vm1 =	vgt.f32 v5, $0.0e+00;
	v5 =	vand.u32 $0x7FFFFFFF, v5;
	v8 =	vld.idx.msk [tilespmem:v3+s7+$0xFFFFE200 ss:$0x1], $0xffff  }
0xbb: {  	v10 =	vsel vm0, $0x2, v0;
	v9 =	vsel vm1, $0x1, v0;
	v4 =	vadd.f32 v4, v5  }
0xbc: {  	v5 =	vor.u32 v9, v10;
	vm0 =	vgt.f32 v6, $0.0e+00;
	v6 =	vand.u32 $0x7FFFFFFF, v6;
	v9 =	vld.idx.msk [tilespmem:v3+s7+$0xFFFFE400 ss:$0x1], $0xffff  }
0xbd: {  	v10 =	vsel vm0, $0x4, v0;
	v4 =	vadd.f32 v6, v4  }
0xbe: {  	vm0 =	vgt.f32 v7, $0.0e+00;
	v6 =	vand.u32 $0x7FFFFFFF, v7;
	v7 =	vld.idx.msk [tilespmem:v3+s7+$0xFFFFE600 ss:$0x1], $0xffff  }
0xbf: {  	v5 =	vor.u32 v10, v5;
	v10 =	vsel vm0, $0x8, v0;
	v4 =	vadd.f32 v6, v4  }
0xc0: {  	v5 =	vor.u32 v10, v5;
	vm0 =	vgt.f32 v8, $0.0e+00;
	v6 =	vand.u32 $0x7FFFFFFF, v8;
	v8 =	vld.idx.msk [tilespmem:v3+s7+$0xFFFFE800 ss:$0x1], $0xffff  }
0xc1: {  	v10 =	vsel vm0, $0x10, v0;
	v4 =	vadd.f32 v6, v4;
	v6 =	vld.idx.msk [tilespmem:v3+s7+$0xFFFFEA00 ss:$0x1], $0xffff  }
0xc2: {  	v5 =	vor.u32 v10, v5;
	vm0 =	vgt.f32 v9, $0.0e+00;
	v9 =	vand.u32 $0x7FFFFFFF, v9  }
0xc3: {  	v10 =	vsel vm0, $0x20, v0;
	v4 =	vadd.f32 v9, v4;
	v9 =	vld.idx.msk [tilespmem:v3+s7+$0xFFFFEC00 ss:$0x1], $0xffff  }
0xc4: {  	v5 =	vor.u32 v10, v5;
	vm0 =	vgt.f32 v7, $0.0e+00;
	v7 =	vand.u32 $0x7FFFFFFF, v7;
	v10 =	vld.idx.msk [tilespmem:v3+s7+$0xFFFFEE00 ss:$0x1], $0xffff  }
0xc5: {  	v7 =	vadd.f32 v7, v4  }
0xc6: {  	v4 =	vsel vm0, $0x40, v0;
	vm0 =	vgt.f32 v8, $0.0e+00;
	v8 =	vand.u32 $0x7FFFFFFF, v8;
	v11 =	vld.idx.msk [tilespmem:v3+s7+$0xFFFFF000 ss:$0x1], $0xffff  }
0xc7: {  	v4 =	vor.u32 v4, v5;
	v5 =	vsel vm0, $0x80, v0;
	v7 =	vadd.f32 v8, v7;
	v8 =	vld.idx.msk [tilespmem:v3+s7+$0xFFFFF200 ss:$0x1], $0xffff  }
0xc8: {  	vm0 =	vgt.f32 v6, $0.0e+00;
	v6 =	vand.u32 $0x7FFFFFFF, v6;
	v5 =	vadd.s32 v5, v4  }
0xc9: {  	v12 =	vsel vm0, $0x100, v0;
	v6 =	vadd.f32 v6, v7;
	vm0 =	vgt.f32 v9, $0.0e+00;
	v7 =	vld.idx.msk [tilespmem:v3+s7+$0xFFFFF400 ss:$0x1], $0xffff  }
0xca: {  	v5 =	vadd.s32 v12, v5;
	v9 =	vand.u32 $0x7FFFFFFF, v9;
	vm1 =	vgt.f32 v10, $0.0e+00;
	v12 =	vld.idx.msk [tilespmem:v3+s7+$0xFFFFF600 ss:$0x1], $0xffff  }
0xcb: {  	v13 =	vsel vm0, $0x200, v0;
	v6 =	vadd.f32 v9, v6;
	v9 =	vsel vm1, $0x400, v0  }
0xcc: {  	v10 =	vand.u32 $0x7FFFFFFF, v10;
	v5 =	vadd.s32 v13, v5;
	vm0 =	vgt.f32 v11, $0.0e+00;
	v13 =	vld.idx.msk [tilespmem:v3+s7+$0xFFFFF800 ss:$0x1], $0xffff  }
0xcd: {  	v5 =	vadd.s32 v9, v5;
	v6 =	vadd.f32 v10, v6;
	v9 =	vsel vm0, $0x800, v0;
	v10 =	vld.idx.msk [tilespmem:v3+s7+$0xFFFFFA00 ss:$0x1], $0xffff  }
0xce: {  	vm0 =	vgt.f32 v8, $0.0e+00;
	v5 =	vadd.s32 v9, v5;
	v9 =	vand.u32 $0x7FFFFFFF, v11  }
0xcf: {  	v6 =	vadd.f32 v9, v6;
	v9 =	vsel vm0, $0x1000, v0;
	vm0 =	vgt.f32 v7, $0.0e+00;
	v11 =	vld.idx.msk [tilespmem:v3+s7+$0xFFFFFC00 ss:$0x1], $0xffff  }
0xd0: {  	v8 =	vand.u32 $0x7FFFFFFF, v8;
	v5 =	vadd.s32 v9, v5;
	v9 =	vsel vm0, $0x2000, v0;
	v14 =	vld.idx.msk [tilespmem:v3+s7+$0xFFFFFE00 ss:$0x1], $0xffff  }
0xd1: {  	vm0 =	vgt.f32 v12, $0.0e+00;
	v6 =	vadd.f32 v8, v6;
	v8 =	vadd.s32 v9, v5  }
0xd2: {  	v7 =	vand.u32 $0x7FFFFFFF, v7;
	v9 =	vsel vm0, $0x4000, v0;
	vm0 =	vgt.f32 v13, $0.0e+00;
	v5 =	vld.idx.msk [tilespmem:v3+s7+$0x0 ss:$0x1], $0xffff  }
0xd3: {  	v6 =	vadd.f32 v7, v6;
	v7 =	vadd.s32 v9, v8;
	v8 =	vsel vm0, $0x8000, v0  }
0xd4: {  	v9 =	vand.u32 $0x7FFFFFFF, v12;
	vm0 =	vgt.f32 v10, $0.0e+00;
	v7 =	vadd.s32 v8, v7  }
0xd5: {  	v8 =	vsel vm0, $0x10000, v0;
	v6 =	vadd.f32 v9, v6;
	vm0 =	vgt.f32 v11, $0.0e+00  }
0xd6: {  	v9 =	vand.u32 $0x7FFFFFFF, v13;
	v7 =	vadd.s32 v8, v7;
	v8 =	vsel vm0, $0x20000, v0  }
.Ltmp0:
0xd7: {  	vm0 =	vgt.f32 v14, $0.0e+00;
	v9 =	vadd.f32 v9, v6;
	v7 =	vadd.s32 v8, v7;
	(pc) =	sbr.rel @!p0 .LBB2_3-.Ltmp0, $4  }
0xd8: {  	v8 =	vand.u32 $0x7FFFFFFF, v10;
	v10 =	vsel vm0, $0x40000, v0;
	v6 =	vand.u32 $0x7FFFFFFF, v14  }
0xd9: {  	v7 =	vadd.s32 v10, v7;
	vm0 =	vgt.f32 v5, $0.0e+00;
	v8 =	vadd.f32 v8, v9  }
0xda: {  	v9 =	vand.u32 $0x7FFFFFFF, v11;
	v10 =	vsel vm0, $0x80000, v0  }
0xdb: {  	v7 =	vadd.s32 v10, v7;
	v8 =	vadd.f32 v9, v8  }
0xdc: {  	_ = 	snop  }
0xdd: {  	v3 =	vadd.f32 v6, v8  }
0xde: {  	v5 =	vand.u32 $0x7FFFFFFF, v5  }
0xdf: {  	v3 =	vadd.f32 v5, v3;
	_ =	sdelay $0x1  }
0xe0: {  	v63 =	vshll.u32 v7, $0x3;
	v3 =	vmul.f32 $5.000000070e-02, v3  }
0xe1: {  	v5 =	vand.u32 $0x7FFFFC00, v63  }
0xe2: {  	[tilespmem:v2+s7+$0x0 ss:$0x1] =	vst.idx.msk $0xffff, v3;
	v2 =	vor.u32 v4, v5  }
0xe3: {  	[tilespmem:v1+s7+$0xFFFFF000 ss:$0x1] =	vst.idx.msk $0xffff, v2;
	v3 =	vor.u32 $0x80, v2  }
0xe4: {  	[tilespmem:v1+s7+$0xFFFFF080 ss:$0x1] =	vst.idx.msk $0xffff, v3;
	v3 =	vor.u32 $0x100, v2  }
0xe5: {  	[tilespmem:v1+s7+$0xFFFFF100 ss:$0x1] =	vst.idx.msk $0xffff, v3;
	v3 =	vor.u32 $0x180, v2  }
0xe6: {  	[tilespmem:v1+s7+$0xFFFFF180 ss:$0x1] =	vst.idx.msk $0xffff, v3;
	v3 =	vor.u32 $0x200, v2  }
0xe7: {  	[tilespmem:v1+s7+$0xFFFFF200 ss:$0x1] =	vst.idx.msk $0xffff, v3;
	v3 =	vor.u32 $0x280, v2  }
0xe8: {  	[tilespmem:v1+s7+$0xFFFFF280 ss:$0x1] =	vst.idx.msk $0xffff, v3;
	v3 =	vor.u32 $0x300, v2  }
0xe9: {  	[tilespmem:v1+s7+$0xFFFFF300 ss:$0x1] =	vst.idx.msk $0xffff, v3;
	v3 =	vor.u32 $0x380, v2  }
0xea: {  	[tilespmem:v1+s7+$0xFFFFF380 ss:$0x1] =	vst.idx.msk $0xffff, v3;
	v3 =	vadd.s32 $0x800000, v2  }
0xeb: {  	[tilespmem:v1+s7+$0x0 ss:$0x1] =	vst.idx.msk $0xffff, v3;
	v3 =	vadd.s32 $0x800080, v2  }
0xec: {  	[tilespmem:v1+s7+$0x80 ss:$0x1] =	vst.idx.msk $0xffff, v3;
	v3 =	vadd.s32 $0x800100, v2  }
0xed: {  	[tilespmem:v1+s7+$0x100 ss:$0x1] =	vst.idx.msk $0xffff, v3;
	v3 =	vadd.s32 $0x800180, v2  }
0xee: {  	[tilespmem:v1+s7+$0x180 ss:$0x1] =	vst.idx.msk $0xffff, v3;
	v3 =	vadd.s32 $0x800200, v2  }
0xef: {  	[tilespmem:v1+s7+$0x200 ss:$0x1] =	vst.idx.msk $0xffff, v3;
	v3 =	vadd.s32 $0x800280, v2  }
0xf0: {  	[tilespmem:v1+s7+$0x280 ss:$0x1] =	vst.idx.msk $0xffff, v3;
	v3 =	vadd.s32 $0x800300, v2  }
0xf1: {  	v2 =	vadd.s32 $0x800380, v2;
	[tilespmem:v1+s7+$0x300 ss:$0x1] =	vst.idx.msk $0xffff, v3  }
0xf2: {  	[tilespmem:v1+s7+$0x380 ss:$0x1] =	vst.idx.msk $0xffff, v2;
	s7 =	sshll.u32 s5, $0xA  }
0xf3: {  	s8 =	sadd.s32 $0x2, s5;
	s9 =	sadd.s32 $0x4A00, s7;
	s10 =	sadd.s32 $0x2A00, s7  }
0xf4: {  	[tilespmem:s9], [sflag:s8] =	stream.indirect.gather [hbm4b:s2+s29], $0x1, s10, s29, $0xb8;
	[tilespmem:$0x6A00] =	vst v63  }
0xf5: {  	s9 =	sadd.s32 $0x5A00, s7;
	s10 =	sadd.s32 $0x3A00, s7  }
0xf6: {  	[tilespmem:s9], [sflag:s8] =	stream.indirect.gather [hbm4b:s2+s29], $0x1, s10, s29, $0xb8;
	[tilespmem:$0x6A00] =	vst v63  }
0xf7: {  	s9 =	sadd.s32 $0x4A80, s7;
	s10 =	sadd.s32 $0x2A80, s7  }
0xf8: {  	[tilespmem:s9], [sflag:s8] =	stream.indirect.gather [hbm4b:s2+s29], $0x1, s10, s29, $0xb8;
	[tilespmem:$0x6A00] =	vst v63  }
0xf9: {  	s9 =	sor.u32 $0x1080, s7  }
0xfa: {  	s10 =	sadd.s32 $0x4A00, s9;
	s9 =	sadd.s32 $0x2A00, s9  }
0xfb: {  	[tilespmem:s10], [sflag:s8] =	stream.indirect.gather [hbm4b:s2+s29], $0x1, s9, s29, $0xb8;
	[tilespmem:$0x6A00] =	vst v63  }
0xfc: {  	s9 =	sadd.s32 $0x4B00, s7;
	s10 =	sadd.s32 $0x2B00, s7  }
0xfd: {  	[tilespmem:s9], [sflag:s8] =	stream.indirect.gather [hbm4b:s2+s29], $0x1, s10, s29, $0xb8;
	[tilespmem:$0x6A00] =	vst v63  }
0xfe: {  	s9 =	sor.u32 $0x1100, s7  }
0xff: {  	s10 =	sadd.s32 $0x4A00, s9;
	s9 =	sadd.s32 $0x2A00, s9  }
0x100: {  	[tilespmem:s10], [sflag:s8] =	stream.indirect.gather [hbm4b:s2+s29], $0x1, s9, s29, $0xb8;
	[tilespmem:$0x6A00] =	vst v63  }
0x101: {  	s9 =	sadd.s32 $0x4B80, s7;
	s10 =	sadd.s32 $0x2B80, s7  }
0x102: {  	[tilespmem:s9], [sflag:s8] =	stream.indirect.gather [hbm4b:s2+s29], $0x1, s10, s29, $0xb8;
	[tilespmem:$0x6A00] =	vst v63  }
0x103: {  	s9 =	sor.u32 $0x1180, s7  }
0x104: {  	s10 =	sadd.s32 $0x4A00, s9;
	s9 =	sadd.s32 $0x2A00, s9  }
0x105: {  	[tilespmem:s10], [sflag:s8] =	stream.indirect.gather [hbm4b:s2+s29], $0x1, s9, s29, $0xb8;
	[tilespmem:$0x6A00] =	vst v63  }
0x106: {  	s9 =	sadd.s32 $0x4C00, s7;
	s10 =	sadd.s32 $0x2C00, s7  }
0x107: {  	[tilespmem:s9], [sflag:s8] =	stream.indirect.gather [hbm4b:s2+s29], $0x1, s10, s29, $0xb8;
	[tilespmem:$0x6A00] =	vst v63  }
0x108: {  	s9 =	sor.u32 $0x1200, s7  }
0x109: {  	s10 =	sadd.s32 $0x4A00, s9;
	s9 =	sadd.s32 $0x2A00, s9  }
0x10a: {  	[tilespmem:s10], [sflag:s8] =	stream.indirect.gather [hbm4b:s2+s29], $0x1, s9, s29, $0xb8;
	[tilespmem:$0x6A00] =	vst v63  }
0x10b: {  	s9 =	sadd.s32 $0x4C80, s7;
	s10 =	sadd.s32 $0x2C80, s7  }
0x10c: {  	[tilespmem:s9], [sflag:s8] =	stream.indirect.gather [hbm4b:s2+s29], $0x1, s10, s29, $0xb8;
	[tilespmem:$0x6A00] =	vst v63  }
0x10d: {  	s9 =	sor.u32 $0x1280, s7  }
0x10e: {  	s10 =	sadd.s32 $0x4A00, s9;
	s9 =	sadd.s32 $0x2A00, s9  }
0x10f: {  	[tilespmem:s10], [sflag:s8] =	stream.indirect.gather [hbm4b:s2+s29], $0x1, s9, s29, $0xb8;
	[tilespmem:$0x6A00] =	vst v63  }
0x110: {  	s9 =	sadd.s32 $0x4D00, s7;
	s10 =	sadd.s32 $0x2D00, s7  }
0x111: {  	[tilespmem:s9], [sflag:s8] =	stream.indirect.gather [hbm4b:s2+s29], $0x1, s10, s29, $0xb8;
	[tilespmem:$0x6A00] =	vst v63  }
0x112: {  	s5 =	sadd.s32 $0x1, s5;
	s9 =	sor.u32 $0x1300, s7  }
0x113: {  	p0 =	seq.s32 s5, $0x4;
	s10 =	sadd.s32 $0x4A00, s9;
	s9 =	sadd.s32 $0x2A00, s9  }
0x114: {  	[tilespmem:s10], [sflag:s8] =	stream.indirect.gather [hbm4b:s2+s29], $0x1, s9, s29, $0xb8;
	[tilespmem:$0x6A00] =	vst v63  }
.Ltmp1:
0x115: {  	s1 =	sadd.s32 $0x80, s1;
	s31 =	sadd.s32 $0x80, s31;
	(pc) =	sbr.rel @!p0 .LBB2_2-.Ltmp1, $4  }
0x116: {  	s9 =	sadd.s32 $0x4D80, s7;
	s10 =	sadd.s32 $0x2D80, s7;
	s7 =	sor.u32 $0x1380, s7  }
0x117: {  	[tilespmem:s9], [sflag:s8] =	stream.indirect.gather [hbm4b:s2+s29], $0x1, s10, s29, $0xb8;
	[tilespmem:$0x6A00] =	vst v63  }
0x118: {  	s0 =	sadd.s32 $0x400, s0;
	s10 =	sadd.s32 $0x4A00, s7;
	s7 =	sadd.s32 $0x2A00, s7  }
0x119: {  	[tilespmem:s10], [sflag:s8] =	stream.indirect.gather [hbm4b:s2+s29], $0x1, s7, s29, $0xb8;
	[tilespmem:$0x6A00] =	vst v63  }
0x11a: {  	s0 =	simm.s32 $0x0;
	s1 =	simm.s32 $0x2800;
	s5 =	simm.s32 $0x5A00  }
.LBB2_6:
0x11b: {  	s7 =	sadd.s32 $0x2, s0  }
0x11c: {  	_ =	swait.ge [sflag:s7], $0x80  }
0x11d: {  	[sflag:s7] =	ssyncset.done $0x0  }
0x11e: {  	[sflag:s7] =	ssyncadd.s32 $0xFFFFFF80  }
0x11f: {  	_ =	swait.ge [sflag:s7], $0x80  }
0x120: {  	[sflag:s7] =	ssyncset.done $0x0  }
0x121: {  	[sflag:s7] =	ssyncadd.s32 $0xFFFFFF80  }
0x122: {  	_ =	swait.ge [sflag:s7], $0x80  }
0x123: {  	[sflag:s7] =	ssyncset.done $0x0  }
0x124: {  	[sflag:s7] =	ssyncadd.s32 $0xFFFFFF80  }
0x125: {  	_ =	swait.ge [sflag:s7], $0x80  }
0x126: {  	[sflag:s7] =	ssyncset.done $0x0  }
0x127: {  	[sflag:s7] =	ssyncadd.s32 $0xFFFFFF80  }
0x128: {  	_ =	swait.ge [sflag:s7], $0x80  }
0x129: {  	[sflag:s7] =	ssyncset.done $0x0  }
0x12a: {  	[sflag:s7] =	ssyncadd.s32 $0xFFFFFF80  }
0x12b: {  	_ =	swait.ge [sflag:s7], $0x80  }
0x12c: {  	[sflag:s7] =	ssyncset.done $0x0  }
0x12d: {  	[sflag:s7] =	ssyncadd.s32 $0xFFFFFF80  }
0x12e: {  	_ =	swait.ge [sflag:s7], $0x80  }
0x12f: {  	[sflag:s7] =	ssyncset.done $0x0  }
0x130: {  	[sflag:s7] =	ssyncadd.s32 $0xFFFFFF80  }
0x131: {  	_ =	swait.ge [sflag:s7], $0x80  }
0x132: {  	[sflag:s7] =	ssyncset.done $0x0  }
0x133: {  	[sflag:s7] =	ssyncadd.s32 $0xFFFFFF80  }
0x134: {  	_ =	swait.ge [sflag:s7], $0x80  }
0x135: {  	[sflag:s7] =	ssyncset.done $0x0  }
0x136: {  	[sflag:s7] =	ssyncadd.s32 $0xFFFFFF80  }
0x137: {  	_ =	swait.ge [sflag:s7], $0x80  }
0x138: {  	[sflag:s7] =	ssyncset.done $0x0  }
0x139: {  	[sflag:s7] =	ssyncadd.s32 $0xFFFFFF80  }
0x13a: {  	_ =	swait.ge [sflag:s7], $0x80  }
0x13b: {  	[sflag:s7] =	ssyncset.done $0x0  }
0x13c: {  	[sflag:s7] =	ssyncadd.s32 $0xFFFFFF80  }
0x13d: {  	_ =	swait.ge [sflag:s7], $0x80  }
0x13e: {  	[sflag:s7] =	ssyncset.done $0x0  }
0x13f: {  	[sflag:s7] =	ssyncadd.s32 $0xFFFFFF80  }
0x140: {  	_ =	swait.ge [sflag:s7], $0x80  }
0x141: {  	[sflag:s7] =	ssyncset.done $0x0  }
0x142: {  	[sflag:s7] =	ssyncadd.s32 $0xFFFFFF80  }
0x143: {  	_ =	swait.ge [sflag:s7], $0x80  }
0x144: {  	[sflag:s7] =	ssyncset.done $0x0  }
0x145: {  	[sflag:s7] =	ssyncadd.s32 $0xFFFFFF80  }
0x146: {  	_ =	swait.ge [sflag:s7], $0x80  }
0x147: {  	v2 =	vmov s1;
	[sflag:s7] =	ssyncset.done $0x0  }
0x148: {  	v1 =	vmov s5;
	[sflag:s7] =	ssyncadd.s32 $0xFFFFFF80  }
0x149: {  	_ =	swait.ge [sflag:s7], $0x80  }
0x14a: {  	[sflag:s7] =	ssyncset.done $0x0  }
0x14b: {  	[sflag:s7] =	ssyncadd.s32 $0xFFFFFF80;
	s7 =	simm.s32 $0x0  }
0x14c: {  	v3 =	vld.idx.msk [tilespmem:v2+s7+$0x0 ss:$0x1], $0xffff  }
0x14d: {  	v4 =	vld.idx.msk [tilespmem:v1+s7+$0xFFFFF080 ss:$0x1], $0xffff  }
0x14e: {  	v5 =	vld.idx.msk [tilespmem:v1+s7+$0xFFFFF000 ss:$0x1], $0xffff;
	_ =	sdelay $0x3  }
0x14f: {  	v4 =	vmul.f32 v4, v3  }
0x150: {  	v5 =	vmul.f32 v5, v3  }
0x151: {  	[tilespmem:v1+s7+$0xFFFFF080 ss:$0x1] =	vst.idx.msk $0xffff, v4  }
0x152: {  	[tilespmem:v1+s7+$0xFFFFF000 ss:$0x1] =	vst.idx.msk $0xffff, v5  }
0x153: {  	v4 =	vld.idx.msk [tilespmem:v1+s7+$0xFFFFF100 ss:$0x1], $0xffff  }
0x154: {  	v5 =	vld.idx.msk [tilespmem:v1+s7+$0xFFFFF180 ss:$0x1], $0xffff;
	_ =	sdelay $0x3  }
0x155: {  	v4 =	vmul.f32 v4, v3  }
0x156: {  	v5 =	vmul.f32 v5, v3  }
0x157: {  	[tilespmem:v1+s7+$0xFFFFF100 ss:$0x1] =	vst.idx.msk $0xffff, v4  }
0x158: {  	[tilespmem:v1+s7+$0xFFFFF180 ss:$0x1] =	vst.idx.msk $0xffff, v5  }
0x159: {  	v4 =	vld.idx.msk [tilespmem:v1+s7+$0xFFFFF200 ss:$0x1], $0xffff  }
0x15a: {  	v5 =	vld.idx.msk [tilespmem:v1+s7+$0xFFFFF280 ss:$0x1], $0xffff;
	_ =	sdelay $0x3  }
0x15b: {  	v4 =	vmul.f32 v4, v3  }
0x15c: {  	v5 =	vmul.f32 v5, v3  }
0x15d: {  	[tilespmem:v1+s7+$0xFFFFF200 ss:$0x1] =	vst.idx.msk $0xffff, v4  }
0x15e: {  	[tilespmem:v1+s7+$0xFFFFF280 ss:$0x1] =	vst.idx.msk $0xffff, v5  }
0x15f: {  	v4 =	vld.idx.msk [tilespmem:v1+s7+$0xFFFFF300 ss:$0x1], $0xffff  }
0x160: {  	v5 =	vld.idx.msk [tilespmem:v1+s7+$0xFFFFF380 ss:$0x1], $0xffff;
	_ =	sdelay $0x3  }
0x161: {  	v4 =	vmul.f32 v4, v3  }
0x162: {  	v5 =	vmul.f32 v5, v3  }
0x163: {  	[tilespmem:v1+s7+$0xFFFFF300 ss:$0x1] =	vst.idx.msk $0xffff, v4  }
0x164: {  	[tilespmem:v1+s7+$0xFFFFF380 ss:$0x1] =	vst.idx.msk $0xffff, v5  }
0x165: {  	v4 =	vld.idx.msk [tilespmem:v1+s7+$0x0 ss:$0x1], $0xffff  }
0x166: {  	v5 =	vld.idx.msk [tilespmem:v1+s7+$0x80 ss:$0x1], $0xffff;
	_ =	sdelay $0x3  }
0x167: {  	v4 =	vmul.f32 v4, v3  }
0x168: {  	v5 =	vmul.f32 v5, v3  }
0x169: {  	[tilespmem:v1+s7+$0x0 ss:$0x1] =	vst.idx.msk $0xffff, v4  }
0x16a: {  	[tilespmem:v1+s7+$0x80 ss:$0x1] =	vst.idx.msk $0xffff, v5  }
0x16b: {  	v4 =	vld.idx.msk [tilespmem:v1+s7+$0x100 ss:$0x1], $0xffff  }
0x16c: {  	v5 =	vld.idx.msk [tilespmem:v1+s7+$0x180 ss:$0x1], $0xffff;
	_ =	sdelay $0x3  }
0x16d: {  	v4 =	vmul.f32 v4, v3  }
0x16e: {  	v5 =	vmul.f32 v5, v3  }
0x16f: {  	[tilespmem:v1+s7+$0x100 ss:$0x1] =	vst.idx.msk $0xffff, v4  }
0x170: {  	[tilespmem:v1+s7+$0x180 ss:$0x1] =	vst.idx.msk $0xffff, v5  }
0x171: {  	v4 =	vld.idx.msk [tilespmem:v1+s7+$0x200 ss:$0x1], $0xffff;
	_ =	sdelay $0x4  }
0x172: {  	v4 =	vmul.f32 v4, v3;
	_ =	sdelay $0x1  }
0x173: {  	[tilespmem:v1+s7+$0x200 ss:$0x1] =	vst.idx.msk $0xffff, v4  }
0x174: {  	v4 =	vld.idx.msk [tilespmem:v1+s7+$0x280 ss:$0x1], $0xffff;
	_ =	sdelay $0x4  }
0x175: {  	v4 =	vmul.f32 v4, v3;
	_ =	sdelay $0x1  }
0x176: {  	[tilespmem:v1+s7+$0x280 ss:$0x1] =	vst.idx.msk $0xffff, v4  }
0x177: {  	v4 =	vld.idx.msk [tilespmem:v1+s7+$0x300 ss:$0x1], $0xffff;
	_ =	sdelay $0x4  }
0x178: {  	s31 =	sshll.u32 s0, $0xA;
	v4 =	vmul.f32 v4, v3  }
0x179: {  	s8 =	sand.u32 $0x3FFFFC00, s31  }
0x17a: {  	s9 =	simm.s32 $0x40;
	s8 =	sadd.s32 $0x5A00, s8;
	[tilespmem:v1+s7+$0x300 ss:$0x1] =	vst.idx.msk $0xffff, v4  }
.LBB2_7:
0x17b: {  	p0 =	sne.s32 s9, $0x1C0;
	v4 =	vld.idx.msk [tilespmem:v1+s7+$0x380 ss:$0x1], $0xffff;
	s10 =	smov.u32 s9;
	s9 =	sadd.s32 $0x40, s9  }
0x17c: {  	_ =	sdelay $0x4  }
0x17d: {  	v3 =	vmul.f32 v4, v3  }
0x17e: {  	s10 =	sshra.s32 s10, $0x2  }
0x17f: {  	[tilespmem:v1+s7+$0x380 ss:$0x1] =	vst.idx.msk $0xffff, v3;
	s7 =	smov.u32 s10  }
0x180: {  	v3 =	vld.idx.msk [tilespmem:v2+s7+$0x0 ss:$0x1], $0xffff  }
0x181: {  	v4 =	vld.idx.msk [tilespmem:v1+s7+$0xFFFFF080 ss:$0x1], $0xffff  }
0x182: {  	v5 =	vld.idx.msk [tilespmem:v1+s7+$0xFFFFF000 ss:$0x1], $0xffff;
	_ =	sdelay $0x4  }
0x183: {  	v4 =	vmul.f32 v4, v3  }
0x184: {  	v5 =	vmul.f32 v5, v3  }
0x185: {  	[tilespmem:v1+s7+$0xFFFFF080 ss:$0x1] =	vst.idx.msk $0xffff, v4  }
0x186: {  	[tilespmem:v1+s7+$0xFFFFF000 ss:$0x1] =	vst.idx.msk $0xffff, v5  }
0x187: {  	v4 =	vld.idx.msk [tilespmem:v1+s7+$0xFFFFF100 ss:$0x1], $0xffff  }
0x188: {  	v5 =	vld.idx.msk [tilespmem:v1+s7+$0xFFFFF180 ss:$0x1], $0xffff;
	_ =	sdelay $0x4  }
0x189: {  	v4 =	vmul.f32 v4, v3  }
0x18a: {  	v5 =	vmul.f32 v5, v3  }
0x18b: {  	[tilespmem:v1+s7+$0xFFFFF100 ss:$0x1] =	vst.idx.msk $0xffff, v4  }
0x18c: {  	[tilespmem:v1+s7+$0xFFFFF180 ss:$0x1] =	vst.idx.msk $0xffff, v5  }
0x18d: {  	v4 =	vld.idx.msk [tilespmem:v1+s7+$0xFFFFF200 ss:$0x1], $0xffff  }
0x18e: {  	v5 =	vld.idx.msk [tilespmem:v1+s7+$0xFFFFF280 ss:$0x1], $0xffff;
	_ =	sdelay $0x4  }
0x18f: {  	v4 =	vmul.f32 v4, v3  }
0x190: {  	v5 =	vmul.f32 v5, v3  }
0x191: {  	[tilespmem:v1+s7+$0xFFFFF200 ss:$0x1] =	vst.idx.msk $0xffff, v4  }
0x192: {  	[tilespmem:v1+s7+$0xFFFFF280 ss:$0x1] =	vst.idx.msk $0xffff, v5  }
0x193: {  	v4 =	vld.idx.msk [tilespmem:v1+s7+$0xFFFFF300 ss:$0x1], $0xffff  }
0x194: {  	v5 =	vld.idx.msk [tilespmem:v1+s7+$0xFFFFF380 ss:$0x1], $0xffff;
	_ =	sdelay $0x4  }
0x195: {  	v4 =	vmul.f32 v4, v3  }
0x196: {  	v5 =	vmul.f32 v5, v3  }
0x197: {  	[tilespmem:v1+s7+$0xFFFFF300 ss:$0x1] =	vst.idx.msk $0xffff, v4  }
0x198: {  	[tilespmem:v1+s7+$0xFFFFF380 ss:$0x1] =	vst.idx.msk $0xffff, v5  }
0x199: {  	v4 =	vld.idx.msk [tilespmem:v1+s7+$0x0 ss:$0x1], $0xffff  }
0x19a: {  	v5 =	vld.idx.msk [tilespmem:v1+s7+$0x80 ss:$0x1], $0xffff;
	_ =	sdelay $0x4  }
0x19b: {  	v4 =	vmul.f32 v4, v3  }
0x19c: {  	v5 =	vmul.f32 v5, v3  }
0x19d: {  	[tilespmem:v1+s7+$0x0 ss:$0x1] =	vst.idx.msk $0xffff, v4  }
0x19e: {  	[tilespmem:v1+s7+$0x80 ss:$0x1] =	vst.idx.msk $0xffff, v5  }
0x19f: {  	v4 =	vld.idx.msk [tilespmem:v1+s7+$0x100 ss:$0x1], $0xffff  }
0x1a0: {  	v5 =	vld.idx.msk [tilespmem:v1+s7+$0x180 ss:$0x1], $0xffff;
	_ =	sdelay $0x4  }
0x1a1: {  	v4 =	vmul.f32 v4, v3  }
0x1a2: {  	v5 =	vmul.f32 v5, v3  }
0x1a3: {  	[tilespmem:v1+s7+$0x100 ss:$0x1] =	vst.idx.msk $0xffff, v4  }
0x1a4: {  	[tilespmem:v1+s7+$0x180 ss:$0x1] =	vst.idx.msk $0xffff, v5  }
0x1a5: {  	v4 =	vld.idx.msk [tilespmem:v1+s7+$0x200 ss:$0x1], $0xffff;
	_ =	sdelay $0x5  }
0x1a6: {  	v4 =	vmul.f32 v4, v3;
	_ =	sdelay $0x1  }
0x1a7: {  	[tilespmem:v1+s7+$0x200 ss:$0x1] =	vst.idx.msk $0xffff, v4  }
0x1a8: {  	v4 =	vld.idx.msk [tilespmem:v1+s7+$0x280 ss:$0x1], $0xffff;
	_ =	sdelay $0x5  }
0x1a9: {  	v4 =	vmul.f32 v4, v3;
	_ =	sdelay $0x1  }
0x1aa: {  	[tilespmem:v1+s7+$0x280 ss:$0x1] =	vst.idx.msk $0xffff, v4  }
0x1ab: {  	v4 =	vld.idx.msk [tilespmem:v1+s7+$0x300 ss:$0x1], $0xffff;
	_ =	sdelay $0x3  }
.Ltmp2:
0x1ac: {  	(pc) =	sbr.rel @p0 .LBB2_7-.Ltmp2, $3  }
0x1ad: {  	_ = 	snop  }
0x1ae: {  	v4 =	vmul.f32 v4, v3;
	_ =	sdelay $0x1  }
0x1af: {  	[tilespmem:v1+s7+$0x300 ss:$0x1] =	vst.idx.msk $0xffff, v4  }
0x1b0: {  	_ =	sdelay $0x3  }
0x1b1: {  	v2 =	vld.idx.msk [tilespmem:v1+s7+$0x380 ss:$0x1], $0xffff;
	_ =	sdelay $0x3  }
0x1b2: {  	s0 =	sadd.s32 $0x1, s0  }
0x1b3: {  	s9 =	sadd.s32 s6, s31;
	p0 =	sne.s32 s0, $0x4;
	v2 =	vmul.f32 v2, v3  }
.Ltmp3:
0x1b4: {  	s9 =	sshrl.u32 s9, $0x3;
	(pc) =	sbr.rel @p0 .LBB2_6-.Ltmp3, $4  }
0x1b5: {  	s10 =	sadd.s32 $0x4A00, s31;
	s31 =	sor.u32 $0x4000, s9;
	[tilespmem:v1+s7+$0x380 ss:$0x1] =	vst.idx.msk $0xffff, v2;
	s7 =	sadd.s32 s3, s9  }
0x1b6: {  	[hbm4b:s7+s4] =	stream.linear.scatter [tilespmem:s10], [sflag:$0x1], $0x400, $0x38;
	[tilespmem:$0x6A00] =	vst v63  }
0x1b7: {  	s1 =	sadd.s32 $0x80, s1;
	s5 =	sadd.s32 $0x400, s5;
	s7 =	sadd.s32 s3, s31  }
0x1b8: {  	[hbm4b:s7+s4] =	stream.linear.scatter [tilespmem:s8], [sflag:$0x1], $0x400, $0x38;
	[tilespmem:$0x6A00] =	vst v63  }
0x1b9: {  	_ =	swait.ge [sflag:s28], $0x400  }
0x1ba: {  	[sflag:s28] =	ssyncset.done $0x0  }
0x1bb: {  	[sflag:s28] =	ssyncadd.s32 $0xFFFFFC00  }
0x1bc: {  	_ =	swait.ge [sflag:s28], $0x400  }
0x1bd: {  	[sflag:s28] =	ssyncset.done $0x0  }
0x1be: {  	[sflag:s28] =	ssyncadd.s32 $0xFFFFFC00  }
0x1bf: {  	_ =	swait.ge [sflag:s28], $0x400  }
0x1c0: {  	[sflag:s28] =	ssyncset.done $0x0  }
0x1c1: {  	[sflag:s28] =	ssyncadd.s32 $0xFFFFFC00  }
0x1c2: {  	_ =	swait.ge [sflag:s28], $0x400  }
0x1c3: {  	[sflag:s28] =	ssyncset.done $0x0  }
0x1c4: {  	[sflag:s28] =	ssyncadd.s32 $0xFFFFFC00  }
0x1c5: {  	_ =	swait.ge [sflag:s28], $0x400  }
0x1c6: {  	[sflag:s28] =	ssyncset.done $0x0  }
0x1c7: {  	[sflag:s28] =	ssyncadd.s32 $0xFFFFFC00  }
0x1c8: {  	_ =	swait.ge [sflag:s28], $0x400  }
0x1c9: {  	[sflag:s28] =	ssyncset.done $0x0  }
0x1ca: {  	[sflag:s28] =	ssyncadd.s32 $0xFFFFFC00  }
0x1cb: {  	_ =	swait.ge [sflag:s28], $0x400  }
0x1cc: {  	[sflag:s28] =	ssyncset.done $0x0  }
0x1cd: {  	[sflag:s28] =	ssyncadd.s32 $0xFFFFFC00  }
0x1ce: {  	_ =	swait.ge [sflag:s28], $0x400  }
0x1cf: {  	s30 =	sadd.s32 $0x1, s30;
	s0 =	rddreg [dreg:$0x5]  }
0x1d0: {  	p0 =	sne.s32 s30, s0  }
.Ltmp4:
0x1d1: {  	_ = 	snop;
	(pc) =	sbr.rel @p0 .LBB2_1-.Ltmp4, $3  }
0x1d2: {  	_ =	sdelay $0x1  }
0x1d3: {  	[sflag:s28] =	ssyncset.done $0x0  }
0x1d4: {  	[sflag:s28] =	ssyncadd.s32 $0xFFFFFC00  }
0x1d5: {  	_ =	sfence.sel $0x180000  }
0x1d6: {  	[bflag:$0x0] =	sbarrier.arrive $0xFFFF  }
0x1d7: {  	_ =	strace $0x90000047  }
0x1d8: {  	s0 =	stileid.u32;
	[bflag:$0x2] =	sbarrier.arrive $0xFFFF  }
0x1d9: {  	p0 =	sne.s32 s0, $0x0;
	s0 =	rddreg [dreg:$0x3]  }
0x1da: {  	s0 =	sadd.s32 @!p0 $0x100000, s0  }
0x1db: {  	[sflag:s0] =	ssyncadd.tile.s32 @!p0 $0x1;
	_ =	shalt  }
.Lfunc_end2:
_tile_overlayer_lowered:
.L_overlay_start_2:
0x1dc: {  	(tag) =	ssettag $0x2  }
0x1dd: {  	s0 =	rddreg [dreg:$0x0];
	s2 =	stileid.u32  }
0x1de: {  	s1 =	rddreg [dreg:$0x1];
	p0 =	sne.s32 s2, $0x0  }
0x1df: {  	s3 =	rddreg [dreg:$0x2];
	[bflag:$0x3] =	sbarrier.arrive $0xFFFF;
	s2 =	simm.s32 @!p0 $0x1C02  }
0x1e0: {  	[timem:s3], [sflag:s2] =	dma.local @!p0 [hbm:s0], s1  }
0x1e1: {  	s0 =	simm.s32 @!p0 $0x2  }
0x1e2: {  	_ =	swait.ge @!p0 [sflag:s0], s1  }
0x1e3: {  	s1 =	ssub.s32 @!p0 $0x0, s1;
	[sflag:s0] =	ssyncset.done @!p0 $0x0  }
0x1e4: {  	[sflag:s0] =	ssyncadd.s32 @!p0 s1  }
0x1e5: {  	[bflag:$0x3] =	sbarrier.arrive $0xFFFF  }
0x1e6: {  	_ =	shalt  }

</sc_bundles>
